<compile_context>
chip_gen: v7x
topology: tpu7x:2x2x1
jax: 0.10.2.dev20260603
libtpu: 0.0.44.dev20260713+nightly
codegen_flags: <defaults>
</compile_context>

<pallas_src>
import functools

import jax
import jax.numpy as jnp
from jax import lax
from jax.experimental import pallas as pl
from jax.experimental.pallas import tpu as pltpu
from jax.experimental.pallas import tpu_sc as plsc

N_EDGES = 320000
D_FEAT = 128
N_SEGMENTS = 10000

NUM_CORES = 2
NUM_SUBCORES = 16
NUM_TILES = NUM_CORES * NUM_SUBCORES
CHUNK = 128
NCHUNKS = N_EDGES // CHUNK
TC_CHUNKS = 820
SC_CHUNKS = NCHUNKS - TC_CHUNKS
BASE_CHUNKS = SC_CHUNKS // NUM_TILES
EXTRA_TILES = SC_CHUNKS % NUM_TILES
SEG_PAD = 10240
SEG_PER_TILE = SEG_PAD // NUM_SUBCORES
TC_BLOCK = 1280
TC_NBLKS = TC_CHUNKS * CHUNK // TC_BLOCK
TC_BLK0 = SC_CHUNKS * CHUNK // TC_BLOCK
TC_WIN = 128
assert BASE_CHUNKS % 2 == 0
assert SC_CHUNKS * CHUNK % TC_BLOCK == 0
assert TC_CHUNKS * CHUNK % TC_BLOCK == 0


def _sc_partial_sums(x3, idx3):
    mesh = plsc.VectorSubcoreMesh(core_axis_name="c", subcore_axis_name="s")

    @functools.partial(
        pl.kernel,
        out_type=jax.ShapeDtypeStruct((NUM_CORES, SEG_PAD, D_FEAT), jnp.float32),
        mesh=mesh,
        scratch_types=[
            pltpu.VMEM((BASE_CHUNKS, 1, CHUNK), jnp.int32),
            pltpu.VMEM((1, CHUNK), jnp.int32),
            pltpu.VMEM((CHUNK, D_FEAT), jnp.float32),
            pltpu.VMEM((CHUNK, D_FEAT), jnp.float32),
            pltpu.VMEM_SHARED((SEG_PAD, D_FEAT), jnp.float32),
            pltpu.SemaphoreType.DMA,
            pltpu.SemaphoreType.DMA,
            pltpu.SemaphoreType.DMA,
        ],
    )
    def k(x_hbm, idx_hbm, out_hbm, idx_v, idx_tail, buf0, buf1, acc,
          sem0, sem1, semz):
        c = lax.axis_index("c")
        s = lax.axis_index("s")
        tile = s * NUM_CORES + c

        start = BASE_CHUNKS * tile + jnp.minimum(tile, EXTRA_TILES)

        pltpu.make_async_copy(
            idx_hbm.at[pl.ds(start, BASE_CHUNKS)], idx_v, semz
        ).start()
        pltpu.make_async_copy(x_hbm.at[start + 1], buf1, sem1).start()

        @pl.loop(0, CHUNK)
        def _zrow(i):
            @pl.loop(0, D_FEAT, step=16)
            def _zlane(j):
                buf0[i, pl.ds(j, 16)] = jnp.zeros((16,), jnp.float32)

        seg_base = pl.multiple_of(s * SEG_PER_TILE, 8)

        @pl.loop(0, SEG_PER_TILE, step=CHUNK)
        def _clear(r):
            pltpu.sync_copy(buf0, acc.at[pl.ds(seg_base + r, CHUNK)])

        pltpu.make_async_copy(x_hbm.at[start], buf0, sem0).start()
        pltpu.make_async_copy(
            idx_hbm.at[pl.ds(start, BASE_CHUNKS)], idx_v, semz
        ).wait()
        plsc.subcore_barrier()

        @pl.loop(0, BASE_CHUNKS, step=2)
        def _chunk(g):
            for b, buf, sem in ((0, buf0, sem0), (1, buf1, sem1)):
                pltpu.make_async_copy(x_hbm.at[start + g + b], buf, sem).wait()
                pltpu.sync_copy(buf, acc.at[idx_v.at[g + b].at[0]], add=True)

                @pl.when(g + b + 2 < BASE_CHUNKS)
                def _prefetch(buf=buf, sem=sem, off=b + 2):
                    pltpu.make_async_copy(
                        x_hbm.at[start + g + off], buf, sem
                    ).start()

        @pl.when(tile < EXTRA_TILES)
        def _tail():
            j = start + BASE_CHUNKS
            pltpu.sync_copy(idx_hbm.at[j], idx_tail)
            pltpu.sync_copy(x_hbm.at[j], buf0)
            pltpu.sync_copy(buf0, acc.at[idx_tail.at[0]], add=True)

        plsc.subcore_barrier()

        pltpu.sync_copy(
            acc.at[pl.ds(seg_base, SEG_PER_TILE)],
            out_hbm.at[c].at[pl.ds(seg_base, SEG_PER_TILE)],
        )

    return k(x3, idx3)


def _tc_partial_sums(x3, idx_col3, idx_row3):

    def body(ir_vec, ir_row, xr, out_ref):
        i = pl.program_id(0)

        @pl.when(i == 0)
        def _init():
            out_ref[...] = jnp.zeros_like(out_ref)

        first = ir_row[0, 0, 0]
        last = ir_row[0, 0, TC_BLOCK - 1]
        base = pl.multiple_of(
            jnp.minimum((first // 8) * 8, SEG_PAD - TC_WIN), 8
        )
        iota = lax.broadcasted_iota(jnp.int32, (TC_WIN, 1), 0) + base
        oh = (iota == ir_vec[0]).astype(jnp.bfloat16)
        xb = xr[0].astype(jnp.bfloat16)
        part = lax.dot_general(
            oh, xb, (((1,), (0,)), ((), ())),
            preferred_element_type=jnp.float32,
        )

        @pl.when(last - base < TC_WIN)
        def _fast():
            out_ref[pl.ds(base, TC_WIN), :] += part

        @pl.when(last - base >= TC_WIN)
        def _slow():
            def row(r, _):
                s = ir_row[0, 0, r]
                out_ref[pl.ds(s, 1), :] += xr[0, pl.ds(r, 1), :]
                return 0
            lax.fori_loop(0, TC_BLOCK, row, 0)

    return pl.pallas_call(
        body,
        grid=(TC_NBLKS,),
        in_specs=[
            pl.BlockSpec((1, 1, TC_BLOCK), lambda i: (TC_BLK0 + i, 0, 0)),
            pl.BlockSpec(
                (1, 1, TC_BLOCK),
                lambda i: (TC_BLK0 + i, 0, 0),
                memory_space=pltpu.SMEM,
            ),
            pl.BlockSpec((1, TC_BLOCK, D_FEAT), lambda i: (TC_BLK0 + i, 0, 0)),
        ],
        out_specs=pl.BlockSpec((SEG_PAD, D_FEAT), lambda i: (0, 0)),
        out_shape=jax.ShapeDtypeStruct((SEG_PAD, D_FEAT), jnp.float32),
    )(idx_col3, idx_row3, x3)


def _combine(sc_partials, tc_partial):
    def body(p_ref, t_ref, o_ref):
        o_ref[...] = p_ref[0] + p_ref[1] + t_ref[...]

    blk = 1000

    return pl.pallas_call(
        body,
        grid=(N_SEGMENTS // blk,),
        in_specs=[
            pl.BlockSpec((NUM_CORES, blk, D_FEAT), lambda i: (0, i, 0)),
            pl.BlockSpec((blk, D_FEAT), lambda i: (i, 0)),
        ],
        out_specs=pl.BlockSpec((blk, D_FEAT), lambda i: (i, 0)),
        out_shape=jax.ShapeDtypeStruct((N_SEGMENTS, D_FEAT), jnp.float32),
    )(sc_partials, tc_partial)


def kernel(x, idx):
    idx = idx.astype(jnp.int32)
    nb = N_EDGES // TC_BLOCK
    idx_rows = idx.reshape(nb, 1, TC_BLOCK)
    tc_part = _tc_partial_sums(
        x.reshape(nb, TC_BLOCK, D_FEAT),
        idx_rows,
        idx_rows,
    )
    x3 = x.reshape(NCHUNKS, CHUNK, D_FEAT)
    idx3 = idx.reshape(NCHUNKS, 1, CHUNK)
    sc_partials = _sc_partial_sums(x3, idx3)
    return _combine(sc_partials, tc_part)

# --- scband reference (transcript-rebuilt; emitter-appended) ---
"""Pipeline reference for scband-segment-pool-71683004171095 (READ-ONLY COPY).

The authoritative reference and input builder live on the scoring server;
editing this copy changes nothing except your own understanding.
"""

import jax, jax.numpy as jnp
import numpy as np

N_EDGES = 320000
D_FEAT = 128
N_SEGMENTS = 10000

def setup_inputs(seed: int = 0) -> dict:
    key = jax.random.key(seed)
    k1, k2 = jax.random.split(key)
    x = jax.random.normal(k1, (N_EDGES, D_FEAT), dtype=jnp.float32)
    idx = jnp.sort(jax.random.randint(k2, (N_EDGES,), 0, N_SEGMENTS, dtype=jnp.int64))
    return {"x": x, "idx": idx}

def reference(x, idx):
    # SegmentPool with reduce='sum': scatter(x, idx, dim=0, reduce='sum')
    # Equivalent to a segment sum over dim 0 with num_segments = max index range.
    out = jax.ops.segment_sum(x, idx, num_segments=N_SEGMENTS)
    return out

if __name__ == "__main__":
    import jax
    _d = setup_inputs()
    print(jax.jit(kernel)(*tuple(_d.values())))

</pallas_src>

<mosaic_0001>
#map = affine_map<(d0, d1) -> (0, 0, 0)>
module attributes {stable_mosaic.version = 14 : i64} {
  func.func @k(%arg0: i32, %arg1: i32, %arg2: memref<2500x128x128xf32, #tpu.memory_space<hbm>>, %arg3: memref<2500x1x128xi32, #tpu.memory_space<hbm>>, %arg4: memref<2x10240x128xf32, #tpu.memory_space<hbm>>, %arg5: memref<52x1x128xi32, #tpu.memory_space<vmem>>, %arg6: memref<1x128xi32, #tpu.memory_space<vmem>>, %arg7: memref<128x128xf32, #tpu.memory_space<vmem>>, %arg8: memref<128x128xf32, #tpu.memory_space<vmem>>, %arg9: memref<10240x128xf32, #tpu.memory_space<vmem_shared>>, %arg10: memref<!tpu.dma_semaphore, #tpu.memory_space<semaphore_mem>>, %arg11: memref<!tpu.dma_semaphore, #tpu.memory_space<semaphore_mem>>, %arg12: memref<!tpu.dma_semaphore, #tpu.memory_space<semaphore_mem>>) attributes {dimension_semantics = [#tpu.dimension_semantics<core_parallel>, #tpu.dimension_semantics<subcore_parallel>], iteration_bounds = array<i64: 2, 16>, scalar_prefetch = 0 : i64, scratch_operands = 8 : i64, tpu.core_type = #tpu.core_type<sc_vector_subcore>, window_params = [{transform_indices = #map}, {transform_indices = #map}, {transform_indices = #map}]} {
    %mul3A = arith.constant 2 : i32
    %mul3A_0 = arith.muli %arg1, %mul3A : i32
    %add3A = arith.addi %mul3A_0, %arg0 : i32
    %mul3A_1 = arith.constant 52 : i32
    %mul3A_2 = arith.muli %mul3A_1, %add3A : i32
    %min3A = arith.constant 16 : i32
    %min3A_3 = arith.minsi %add3A, %min3A : i32
    %add3A_4 = arith.addi %mul3A_2, %min3A_3 : i32
    %dma_start3A = arith.constant 0 : i32
    %dma_start3A_5 = arith.constant 0 : i32
    %dma_start3A_6 = tpu.memref_slice %arg3[%add3A_4, %dma_start3A, %dma_start3A_5] : memref<2500x1x128xi32, #tpu.memory_space<hbm>> -> memref<52x1x128xi32, #tpu.memory_space<hbm>>
    %dma_start3A_7 = arith.constant 0 : i32
    %dma_start3A_8 = arith.constant 0 : i32
    %dma_start3A_9 = tpu.memref_slice %arg3[%add3A_4, %dma_start3A_7, %dma_start3A_8] : memref<2500x1x128xi32, #tpu.memory_space<hbm>> -> memref<52x1x128xi32, #tpu.memory_space<hbm>>
    tpu.enqueue_dma source(%dma_start3A_9 : memref<52x1x128xi32, #tpu.memory_space<hbm>>) target(%arg5 : memref<52x1x128xi32, #tpu.memory_space<vmem>>) target_semaphore(%arg12 : memref<!tpu.dma_semaphore, #tpu.memory_space<semaphore_mem>>)
    %add3A_10 = arith.constant 1 : i32
    %add3A_11 = arith.addi %add3A_4, %add3A_10 : i32
    %dma_start3A_12 = arith.constant 0 : i32
    %dma_start3A_13 = arith.constant 0 : i32
    %dma_start3A_14 = tpu.memref_slice %arg2[%add3A_11, %dma_start3A_12, %dma_start3A_13] : memref<2500x128x128xf32, #tpu.memory_space<hbm>> -> memref<1x128x128xf32, #tpu.memory_space<hbm>>
    %dma_start3A_15 = tpu.memref_squeeze %dma_start3A_14 : memref<1x128x128xf32, #tpu.memory_space<hbm>> -> memref<128x128xf32, #tpu.memory_space<hbm>>
    %dma_start3A_16 = arith.constant 0 : i32
    %dma_start3A_17 = arith.constant 0 : i32
    %dma_start3A_18 = tpu.memref_slice %arg2[%add3A_11, %dma_start3A_16, %dma_start3A_17] : memref<2500x128x128xf32, #tpu.memory_space<hbm>> -> memref<1x128x128xf32, #tpu.memory_space<hbm>>
    %dma_start3A_19 = tpu.memref_squeeze %dma_start3A_18 : memref<1x128x128xf32, #tpu.memory_space<hbm>> -> memref<128x128xf32, #tpu.memory_space<hbm>>
    tpu.enqueue_dma source(%dma_start3A_19 : memref<128x128xf32, #tpu.memory_space<hbm>>) target(%arg8 : memref<128x128xf32, #tpu.memory_space<vmem>>) target_semaphore(%arg11 : memref<!tpu.dma_semaphore, #tpu.memory_space<semaphore_mem>>)
    %scan3A = arith.constant 0 : i32
    %scan3A_20 = arith.constant 128 : i32
    %scan3A_21 = arith.addi %scan3A, %scan3A_20 : i32
    %scan3A_22 = arith.constant 1 : i32
    scf.for %scan3A_52 = %scan3A to %scan3A_21 step %scan3A_22  : i32 {
      %mul3A_53 = arith.constant 1 : i32
      %mul3A_54 = arith.muli %scan3A_52, %mul3A_53 : i32
      %add3A_55 = arith.constant 0 : i32
      %add3A_56 = arith.addi %add3A_55, %mul3A_54 : i32
      %scan3A_57 = arith.constant 0 : i32
      %scan3A_58 = arith.constant 8 : i32
      %scan3A_59 = arith.addi %scan3A_57, %scan3A_58 : i32
      %scan3A_60 = arith.constant 1 : i32
      scf.for %scan3A_62 = %scan3A_57 to %scan3A_59 step %scan3A_60  : i32 {
        %mul3A_63 = arith.constant 16 : i32
        %mul3A_64 = arith.muli %scan3A_62, %mul3A_63 : i32
        %add3A_65 = arith.constant 0 : i32
        %add3A_66 = arith.addi %add3A_65, %mul3A_64 : i32
        %broadcast_in_dim3A = arith.constant 0.000000e+00 : f32
        %broadcast_in_dim3A_67 = vector.broadcast %broadcast_in_dim3A : f32 to vector<16xf32>
        %swap3A = arith.index_cast %add3A_56 : i32 to index
        %swap3A_68 = arith.index_cast %add3A_66 : i32 to index
        %swap3A_69 = tpu.vector_load %arg7[%swap3A, %swap3A_68] {strides = array<i32>} : memref<128x128xf32, #tpu.memory_space<vmem>>, vector<1x16xf32>,
        %swap3A_70 = vector.shape_cast %swap3A_69 : vector<1x16xf32> to vector<16xf32>
        %swap3A_71 = vector.shape_cast %broadcast_in_dim3A_67 : vector<16xf32> to vector<1x16xf32>
        tpu.vector_store %arg7[%swap3A, %swap3A_68], %swap3A_71 {strides = array<i32>} : memref<128x128xf32, #tpu.memory_space<vmem>>, vector<1x16xf32>,
      }
      %scan3A_61 = arith.constant 8 : i32
    }
    %scan3A_23 = arith.constant 128 : i32
    %mul3A_24 = arith.constant 640 : i32
    %mul3A_25 = arith.muli %arg1, %mul3A_24 : i32
    %multiple_of3A = tpu.assume_multiple %mul3A_25, 8 : i32
    %scan3A_26 = arith.constant 0 : i32
    %scan3A_27 = arith.constant 5 : i32
    %scan3A_28 = arith.addi %scan3A_26, %scan3A_27 : i32
    %scan3A_29 = arith.constant 1 : i32
    scf.for %scan3A_52 = %scan3A_26 to %scan3A_28 step %scan3A_29  : i32 {
      %mul3A_53 = arith.constant 128 : i32
      %mul3A_54 = arith.muli %scan3A_52, %mul3A_53 : i32
      %add3A_55 = arith.constant 0 : i32
      %add3A_56 = arith.addi %add3A_55, %mul3A_54 : i32
      %add3A_57 = arith.addi %multiple_of3A, %add3A_56 : i32
      "tpu.region"() ({
        %run_scoped3A = tpu.sem_alloc : memref<!tpu.dma_semaphore, #tpu.memory_space<semaphore_mem>>
        %dma_start3A_58 = arith.constant 0 : i32
        %dma_start3A_59 = tpu.memref_slice %arg9[%add3A_57, %dma_start3A_58] : memref<10240x128xf32, #tpu.memory_space<vmem_shared>> -> memref<128x128xf32, #tpu.memory_space<vmem_shared>>
        %dma_start3A_60 = arith.constant 0 : i32
        %dma_start3A_61 = tpu.memref_slice %arg9[%add3A_57, %dma_start3A_60] : memref<10240x128xf32, #tpu.memory_space<vmem_shared>> -> memref<128x128xf32, #tpu.memory_space<vmem_shared>>
        tpu.enqueue_dma source(%arg7 : memref<128x128xf32, #tpu.memory_space<vmem>>) target(%dma_start3A_61 : memref<128x128xf32, #tpu.memory_space<vmem_shared>>) target_semaphore(%run_scoped3A : memref<!tpu.dma_semaphore, #tpu.memory_space<semaphore_mem>>)
        %dma_wait3A_62 = arith.constant 0 : i32
        %dma_wait3A_63 = tpu.memref_slice %arg9[%add3A_57, %dma_wait3A_62] : memref<10240x128xf32, #tpu.memory_space<vmem_shared>> -> memref<128x128xf32, #tpu.memory_space<vmem_shared>>
        %dma_wait3A_64 = arith.constant 0 : i32
        %dma_wait3A_65 = tpu.memref_slice %arg9[%add3A_57, %dma_wait3A_64] : memref<10240x128xf32, #tpu.memory_space<vmem_shared>> -> memref<128x128xf32, #tpu.memory_space<vmem_shared>>
        tpu.wait_dma2 semaphore(%run_scoped3A : memref<!tpu.dma_semaphore, #tpu.memory_space<semaphore_mem>>) src(%arg7 : memref<128x128xf32, #tpu.memory_space<vmem>>) dst(%dma_wait3A_65 : memref<128x128xf32, #tpu.memory_space<vmem_shared>>)
        tpu.yield
      }) : () -> ()
    }
    %scan3A_30 = arith.constant 5 : i32
    %dma_start3A_31 = arith.constant 0 : i32
    %dma_start3A_32 = arith.constant 0 : i32
    %dma_start3A_33 = tpu.memref_slice %arg2[%add3A_4, %dma_start3A_31, %dma_start3A_32] : memref<2500x128x128xf32, #tpu.memory_space<hbm>> -> memref<1x128x128xf32, #tpu.memory_space<hbm>>
    %dma_start3A_34 = tpu.memref_squeeze %dma_start3A_33 : memref<1x128x128xf32, #tpu.memory_space<hbm>> -> memref<128x128xf32, #tpu.memory_space<hbm>>
    %dma_start3A_35 = arith.constant 0 : i32
    %dma_start3A_36 = arith.constant 0 : i32
    %dma_start3A_37 = tpu.memref_slice %arg2[%add3A_4, %dma_start3A_35, %dma_start3A_36] : memref<2500x128x128xf32, #tpu.memory_space<hbm>> -> memref<1x128x128xf32, #tpu.memory_space<hbm>>
    %dma_start3A_38 = tpu.memref_squeeze %dma_start3A_37 : memref<1x128x128xf32, #tpu.memory_space<hbm>> -> memref<128x128xf32, #tpu.memory_space<hbm>>
    tpu.enqueue_dma source(%dma_start3A_38 : memref<128x128xf32, #tpu.memory_space<hbm>>) target(%arg7 : memref<128x128xf32, #tpu.memory_space<vmem>>) target_semaphore(%arg10 : memref<!tpu.dma_semaphore, #tpu.memory_space<semaphore_mem>>)
    %dma_wait3A = arith.constant 0 : i32
    %dma_wait3A_39 = arith.constant 0 : i32
    %dma_wait3A_40 = tpu.memref_slice %arg3[%add3A_4, %dma_wait3A, %dma_wait3A_39] : memref<2500x1x128xi32, #tpu.memory_space<hbm>> -> memref<52x1x128xi32, #tpu.memory_space<hbm>>
    %dma_wait3A_41 = arith.constant 0 : i32
    %dma_wait3A_42 = arith.constant 0 : i32
    %dma_wait3A_43 = tpu.memref_slice %arg3[%add3A_4, %dma_wait3A_41, %dma_wait3A_42] : memref<2500x1x128xi32, #tpu.memory_space<hbm>> -> memref<52x1x128xi32, #tpu.memory_space<hbm>>
    tpu.wait_dma2 semaphore(%arg12 : memref<!tpu.dma_semaphore, #tpu.memory_space<semaphore_mem>>) src(%dma_wait3A_43 : memref<52x1x128xi32, #tpu.memory_space<hbm>>) dst(%arg5 : memref<52x1x128xi32, #tpu.memory_space<vmem>>)
    %barrier3A = arith.constant 0 : index
    tpu.barrier barrier_id(%barrier3A)
    %scan3A_44 = arith.constant 0 : i32
    %scan3A_45 = arith.constant 26 : i32
    %scan3A_46 = arith.addi %scan3A_44, %scan3A_45 : i32
    %scan3A_47 = arith.constant 1 : i32
    scf.for %scan3A_52 = %scan3A_44 to %scan3A_46 step %scan3A_47  : i32 {
      %mul3A_53 = arith.constant 2 : i32
      %mul3A_54 = arith.muli %scan3A_52, %mul3A_53 : i32
      %add3A_55 = arith.constant 0 : i32
      %add3A_56 = arith.addi %add3A_55, %mul3A_54 : i32
      %add3A_57 = arith.addi %add3A_4, %add3A_56 : i32
      %add3A_58 = arith.constant 0 : i32
      %add3A_59 = arith.addi %add3A_57, %add3A_58 : i32
      %dma_wait3A_60 = arith.constant 0 : i32
      %dma_wait3A_61 = arith.constant 0 : i32
      %dma_wait3A_62 = tpu.memref_slice %arg2[%add3A_59, %dma_wait3A_60, %dma_wait3A_61] : memref<2500x128x128xf32, #tpu.memory_space<hbm>> -> memref<1x128x128xf32, #tpu.memory_space<hbm>>
      %dma_wait3A_63 = tpu.memref_squeeze %dma_wait3A_62 : memref<1x128x128xf32, #tpu.memory_space<hbm>> -> memref<128x128xf32, #tpu.memory_space<hbm>>
      %dma_wait3A_64 = arith.constant 0 : i32
      %dma_wait3A_65 = arith.constant 0 : i32
      %dma_wait3A_66 = tpu.memref_slice %arg2[%add3A_59, %dma_wait3A_64, %dma_wait3A_65] : memref<2500x128x128xf32, #tpu.memory_space<hbm>> -> memref<1x128x128xf32, #tpu.memory_space<hbm>>
      %dma_wait3A_67 = tpu.memref_squeeze %dma_wait3A_66 : memref<1x128x128xf32, #tpu.memory_space<hbm>> -> memref<128x128xf32, #tpu.memory_space<hbm>>
      tpu.wait_dma2 semaphore(%arg10 : memref<!tpu.dma_semaphore, #tpu.memory_space<semaphore_mem>>) src(%dma_wait3A_67 : memref<128x128xf32, #tpu.memory_space<hbm>>) dst(%arg7 : memref<128x128xf32, #tpu.memory_space<vmem>>)
      %add3A_68 = arith.constant 0 : i32
      %add3A_69 = arith.addi %add3A_56, %add3A_68 : i32
      %run_scoped3A = arith.constant 0 : i32
      "tpu.region"() ({
        %run_scoped3A_102 = tpu.sem_alloc : memref<!tpu.dma_semaphore, #tpu.memory_space<semaphore_mem>>
        %dma_start3A_103 = arith.constant 0 : i32
        %dma_start3A_104 = arith.constant 0 : i32
        %dma_start3A_105 = tpu.memref_slice %arg5[%add3A_69, %dma_start3A_103, %dma_start3A_104] : memref<52x1x128xi32, #tpu.memory_space<vmem>> -> memref<1x1x128xi32, #tpu.memory_space<vmem>>
        %dma_start3A_106 = tpu.memref_squeeze %dma_start3A_105 : memref<1x1x128xi32, #tpu.memory_space<vmem>> -> memref<1x128xi32, #tpu.memory_space<vmem>>
        %dma_start3A_107 = arith.constant 0 : i32
        %dma_start3A_108 = tpu.memref_slice %dma_start3A_106[%run_scoped3A, %dma_start3A_107] : memref<1x128xi32, #tpu.memory_space<vmem>> -> memref<1x128xi32, #tpu.memory_space<vmem>>
        %dma_start3A_109 = tpu.memref_squeeze %dma_start3A_108 : memref<1x128xi32, #tpu.memory_space<vmem>> -> memref<128xi32, #tpu.memory_space<vmem>>
        %dma_start3A_110 = arith.constant 0 : i32
        %dma_start3A_111 = arith.constant 0 : i32
        %dma_start3A_112 = tpu.memref_slice %arg9[%dma_start3A_110, %dma_start3A_111] : memref<10240x128xf32, #tpu.memory_space<vmem_shared>> -> memref<10240x128xf32, #tpu.memory_space<vmem_shared>>
        tpu.enqueue_indirect_dma source(%arg7 : memref<128x128xf32, #tpu.memory_space<vmem>>) target(%dma_start3A_112 : memref<10240x128xf32, #tpu.memory_space<vmem_shared>>) offsets(%dma_start3A_109 : memref<128xi32, #tpu.memory_space<vmem>>) semaphore(%run_scoped3A_102 : memref<!tpu.dma_semaphore, #tpu.memory_space<semaphore_mem>>) {add = true}
        %dma_wait3A_113 = arith.constant 0 : i32
        %dma_wait3A_114 = arith.constant 0 : i32
        %dma_wait3A_115 = tpu.memref_slice %arg5[%add3A_69, %dma_wait3A_113, %dma_wait3A_114] : memref<52x1x128xi32, #tpu.memory_space<vmem>> -> memref<1x1x128xi32, #tpu.memory_space<vmem>>
        %dma_wait3A_116 = tpu.memref_squeeze %dma_wait3A_115 : memref<1x1x128xi32, #tpu.memory_space<vmem>> -> memref<1x128xi32, #tpu.memory_space<vmem>>
        %dma_wait3A_117 = arith.constant 0 : i32
        %dma_wait3A_118 = tpu.memref_slice %dma_wait3A_116[%run_scoped3A, %dma_wait3A_117] : memref<1x128xi32, #tpu.memory_space<vmem>> -> memref<1x128xi32, #tpu.memory_space<vmem>>
        %dma_wait3A_119 = tpu.memref_squeeze %dma_wait3A_118 : memref<1x128xi32, #tpu.memory_space<vmem>> -> memref<128xi32, #tpu.memory_space<vmem>>
        %dma_wait3A_120 = arith.constant 0 : i32
        %dma_wait3A_121 = arith.constant 0 : i32
        %dma_wait3A_122 = tpu.memref_slice %arg9[%dma_wait3A_120, %dma_wait3A_121] : memref<10240x128xf32, #tpu.memory_space<vmem_shared>> -> memref<10240x128xf32, #tpu.memory_space<vmem_shared>>
        tpu.wait_indirect_dma semaphore(%run_scoped3A_102 : memref<!tpu.dma_semaphore, #tpu.memory_space<semaphore_mem>>) src(%arg7 : memref<128x128xf32, #tpu.memory_space<vmem>>) dst(%dma_wait3A_122 : memref<10240x128xf32, #tpu.memory_space<vmem_shared>>)
        tpu.yield
      }) : () -> ()
      %add3A_70 = arith.constant 0 : i32
      %add3A_71 = arith.addi %add3A_56, %add3A_70 : i32
      %add3A_72 = arith.constant 2 : i32
      %add3A_73 = arith.addi %add3A_71, %add3A_72 : i32
      %lt3A_74 = arith.constant 52 : i32
      %lt3A_75 = arith.cmpi slt, %add3A_73, %lt3A_74 : i32
      %convert_element_type3A_76 = arith.extui %lt3A_75 : i1 to i32
      %cond3A_77 = arith.constant 0 : i32
      %cond3A_78 = arith.cmpi ne, %convert_element_type3A_76, %cond3A_77 : i32
      scf.if %cond3A_78 {
        %add3A_102 = arith.addi %add3A_4, %add3A_56 : i32
        %add3A_103 = arith.constant 2 : i32
        %add3A_104 = arith.addi %add3A_102, %add3A_103 : i32
        %dma_start3A_105 = arith.constant 0 : i32
        %dma_start3A_106 = arith.constant 0 : i32
        %dma_start3A_107 = tpu.memref_slice %arg2[%add3A_104, %dma_start3A_105, %dma_start3A_106] : memref<2500x128x128xf32, #tpu.memory_space<hbm>> -> memref<1x128x128xf32, #tpu.memory_space<hbm>>
        %dma_start3A_108 = tpu.memref_squeeze %dma_start3A_107 : memref<1x128x128xf32, #tpu.memory_space<hbm>> -> memref<128x128xf32, #tpu.memory_space<hbm>>
        %dma_start3A_109 = arith.constant 0 : i32
        %dma_start3A_110 = arith.constant 0 : i32
        %dma_start3A_111 = tpu.memref_slice %arg2[%add3A_104, %dma_start3A_109, %dma_start3A_110] : memref<2500x128x128xf32, #tpu.memory_space<hbm>> -> memref<1x128x128xf32, #tpu.memory_space<hbm>>
        %dma_start3A_112 = tpu.memref_squeeze %dma_start3A_111 : memref<1x128x128xf32, #tpu.memory_space<hbm>> -> memref<128x128xf32, #tpu.memory_space<hbm>>
        tpu.enqueue_dma source(%dma_start3A_112 : memref<128x128xf32, #tpu.memory_space<hbm>>) target(%arg7 : memref<128x128xf32, #tpu.memory_space<vmem>>) target_semaphore(%arg10 : memref<!tpu.dma_semaphore, #tpu.memory_space<semaphore_mem>>)
      } else {
      }
      %add3A_79 = arith.addi %add3A_4, %add3A_56 : i32
      %add3A_80 = arith.constant 1 : i32
      %add3A_81 = arith.addi %add3A_79, %add3A_80 : i32
      %dma_wait3A_82 = arith.constant 0 : i32
      %dma_wait3A_83 = arith.constant 0 : i32
      %dma_wait3A_84 = tpu.memref_slice %arg2[%add3A_81, %dma_wait3A_82, %dma_wait3A_83] : memref<2500x128x128xf32, #tpu.memory_space<hbm>> -> memref<1x128x128xf32, #tpu.memory_space<hbm>>
      %dma_wait3A_85 = tpu.memref_squeeze %dma_wait3A_84 : memref<1x128x128xf32, #tpu.memory_space<hbm>> -> memref<128x128xf32, #tpu.memory_space<hbm>>
      %dma_wait3A_86 = arith.constant 0 : i32
      %dma_wait3A_87 = arith.constant 0 : i32
      %dma_wait3A_88 = tpu.memref_slice %arg2[%add3A_81, %dma_wait3A_86, %dma_wait3A_87] : memref<2500x128x128xf32, #tpu.memory_space<hbm>> -> memref<1x128x128xf32, #tpu.memory_space<hbm>>
      %dma_wait3A_89 = tpu.memref_squeeze %dma_wait3A_88 : memref<1x128x128xf32, #tpu.memory_space<hbm>> -> memref<128x128xf32, #tpu.memory_space<hbm>>
      tpu.wait_dma2 semaphore(%arg11 : memref<!tpu.dma_semaphore, #tpu.memory_space<semaphore_mem>>) src(%dma_wait3A_89 : memref<128x128xf32, #tpu.memory_space<hbm>>) dst(%arg8 : memref<128x128xf32, #tpu.memory_space<vmem>>)
      %add3A_90 = arith.constant 1 : i32
      %add3A_91 = arith.addi %add3A_56, %add3A_90 : i32
      %run_scoped3A_92 = arith.constant 0 : i32
      "tpu.region"() ({
        %run_scoped3A_102 = tpu.sem_alloc : memref<!tpu.dma_semaphore, #tpu.memory_space<semaphore_mem>>
        %dma_start3A_103 = arith.constant 0 : i32
        %dma_start3A_104 = arith.constant 0 : i32
        %dma_start3A_105 = tpu.memref_slice %arg5[%add3A_91, %dma_start3A_103, %dma_start3A_104] : memref<52x1x128xi32, #tpu.memory_space<vmem>> -> memref<1x1x128xi32, #tpu.memory_space<vmem>>
        %dma_start3A_106 = tpu.memref_squeeze %dma_start3A_105 : memref<1x1x128xi32, #tpu.memory_space<vmem>> -> memref<1x128xi32, #tpu.memory_space<vmem>>
        %dma_start3A_107 = arith.constant 0 : i32
        %dma_start3A_108 = tpu.memref_slice %dma_start3A_106[%run_scoped3A_92, %dma_start3A_107] : memref<1x128xi32, #tpu.memory_space<vmem>> -> memref<1x128xi32, #tpu.memory_space<vmem>>
        %dma_start3A_109 = tpu.memref_squeeze %dma_start3A_108 : memref<1x128xi32, #tpu.memory_space<vmem>> -> memref<128xi32, #tpu.memory_space<vmem>>
        %dma_start3A_110 = arith.constant 0 : i32
        %dma_start3A_111 = arith.constant 0 : i32
        %dma_start3A_112 = tpu.memref_slice %arg9[%dma_start3A_110, %dma_start3A_111] : memref<10240x128xf32, #tpu.memory_space<vmem_shared>> -> memref<10240x128xf32, #tpu.memory_space<vmem_shared>>
        tpu.enqueue_indirect_dma source(%arg8 : memref<128x128xf32, #tpu.memory_space<vmem>>) target(%dma_start3A_112 : memref<10240x128xf32, #tpu.memory_space<vmem_shared>>) offsets(%dma_start3A_109 : memref<128xi32, #tpu.memory_space<vmem>>) semaphore(%run_scoped3A_102 : memref<!tpu.dma_semaphore, #tpu.memory_space<semaphore_mem>>) {add = true}
        %dma_wait3A_113 = arith.constant 0 : i32
        %dma_wait3A_114 = arith.constant 0 : i32
        %dma_wait3A_115 = tpu.memref_slice %arg5[%add3A_91, %dma_wait3A_113, %dma_wait3A_114] : memref<52x1x128xi32, #tpu.memory_space<vmem>> -> memref<1x1x128xi32, #tpu.memory_space<vmem>>
        %dma_wait3A_116 = tpu.memref_squeeze %dma_wait3A_115 : memref<1x1x128xi32, #tpu.memory_space<vmem>> -> memref<1x128xi32, #tpu.memory_space<vmem>>
        %dma_wait3A_117 = arith.constant 0 : i32
        %dma_wait3A_118 = tpu.memref_slice %dma_wait3A_116[%run_scoped3A_92, %dma_wait3A_117] : memref<1x128xi32, #tpu.memory_space<vmem>> -> memref<1x128xi32, #tpu.memory_space<vmem>>
        %dma_wait3A_119 = tpu.memref_squeeze %dma_wait3A_118 : memref<1x128xi32, #tpu.memory_space<vmem>> -> memref<128xi32, #tpu.memory_space<vmem>>
        %dma_wait3A_120 = arith.constant 0 : i32
        %dma_wait3A_121 = arith.constant 0 : i32
        %dma_wait3A_122 = tpu.memref_slice %arg9[%dma_wait3A_120, %dma_wait3A_121] : memref<10240x128xf32, #tpu.memory_space<vmem_shared>> -> memref<10240x128xf32, #tpu.memory_space<vmem_shared>>
        tpu.wait_indirect_dma semaphore(%run_scoped3A_102 : memref<!tpu.dma_semaphore, #tpu.memory_space<semaphore_mem>>) src(%arg8 : memref<128x128xf32, #tpu.memory_space<vmem>>) dst(%dma_wait3A_122 : memref<10240x128xf32, #tpu.memory_space<vmem_shared>>)
        tpu.yield
      }) : () -> ()
      %add3A_93 = arith.constant 1 : i32
      %add3A_94 = arith.addi %add3A_56, %add3A_93 : i32
      %add3A_95 = arith.constant 2 : i32
      %add3A_96 = arith.addi %add3A_94, %add3A_95 : i32
      %lt3A_97 = arith.constant 52 : i32
      %lt3A_98 = arith.cmpi slt, %add3A_96, %lt3A_97 : i32
      %convert_element_type3A_99 = arith.extui %lt3A_98 : i1 to i32
      %cond3A_100 = arith.constant 0 : i32
      %cond3A_101 = arith.cmpi ne, %convert_element_type3A_99, %cond3A_100 : i32
      scf.if %cond3A_101 {
        %add3A_102 = arith.addi %add3A_4, %add3A_56 : i32
        %add3A_103 = arith.constant 3 : i32
        %add3A_104 = arith.addi %add3A_102, %add3A_103 : i32
        %dma_start3A_105 = arith.constant 0 : i32
        %dma_start3A_106 = arith.constant 0 : i32
        %dma_start3A_107 = tpu.memref_slice %arg2[%add3A_104, %dma_start3A_105, %dma_start3A_106] : memref<2500x128x128xf32, #tpu.memory_space<hbm>> -> memref<1x128x128xf32, #tpu.memory_space<hbm>>
        %dma_start3A_108 = tpu.memref_squeeze %dma_start3A_107 : memref<1x128x128xf32, #tpu.memory_space<hbm>> -> memref<128x128xf32, #tpu.memory_space<hbm>>
        %dma_start3A_109 = arith.constant 0 : i32
        %dma_start3A_110 = arith.constant 0 : i32
        %dma_start3A_111 = tpu.memref_slice %arg2[%add3A_104, %dma_start3A_109, %dma_start3A_110] : memref<2500x128x128xf32, #tpu.memory_space<hbm>> -> memref<1x128x128xf32, #tpu.memory_space<hbm>>
        %dma_start3A_112 = tpu.memref_squeeze %dma_start3A_111 : memref<1x128x128xf32, #tpu.memory_space<hbm>> -> memref<128x128xf32, #tpu.memory_space<hbm>>
        tpu.enqueue_dma source(%dma_start3A_112 : memref<128x128xf32, #tpu.memory_space<hbm>>) target(%arg8 : memref<128x128xf32, #tpu.memory_space<vmem>>) target_semaphore(%arg11 : memref<!tpu.dma_semaphore, #tpu.memory_space<semaphore_mem>>)
      } else {
      }
    }
    %scan3A_48 = arith.constant 26 : i32
    %lt3A = arith.constant 16 : i32
    %lt3A_49 = arith.cmpi slt, %add3A, %lt3A : i32
    %convert_element_type3A = arith.extui %lt3A_49 : i1 to i32
    %cond3A = arith.constant 0 : i32
    %cond3A_50 = arith.cmpi ne, %convert_element_type3A, %cond3A : i32
    scf.if %cond3A_50 {
      %add3A_52 = arith.constant 52 : i32
      %add3A_53 = arith.addi %add3A_4, %add3A_52 : i32
      "tpu.region"() ({
        %run_scoped3A_54 = tpu.sem_alloc : memref<!tpu.dma_semaphore, #tpu.memory_space<semaphore_mem>>
        %dma_start3A_55 = arith.constant 0 : i32
        %dma_start3A_56 = arith.constant 0 : i32
        %dma_start3A_57 = tpu.memref_slice %arg3[%add3A_53, %dma_start3A_55, %dma_start3A_56] : memref<2500x1x128xi32, #tpu.memory_space<hbm>> -> memref<1x1x128xi32, #tpu.memory_space<hbm>>
        %dma_start3A_58 = tpu.memref_squeeze %dma_start3A_57 : memref<1x1x128xi32, #tpu.memory_space<hbm>> -> memref<1x128xi32, #tpu.memory_space<hbm>>
        %dma_start3A_59 = arith.constant 0 : i32
        %dma_start3A_60 = arith.constant 0 : i32
        %dma_start3A_61 = tpu.memref_slice %arg3[%add3A_53, %dma_start3A_59, %dma_start3A_60] : memref<2500x1x128xi32, #tpu.memory_space<hbm>> -> memref<1x1x128xi32, #tpu.memory_space<hbm>>
        %dma_start3A_62 = tpu.memref_squeeze %dma_start3A_61 : memref<1x1x128xi32, #tpu.memory_space<hbm>> -> memref<1x128xi32, #tpu.memory_space<hbm>>
        tpu.enqueue_dma source(%dma_start3A_62 : memref<1x128xi32, #tpu.memory_space<hbm>>) target(%arg6 : memref<1x128xi32, #tpu.memory_space<vmem>>) target_semaphore(%run_scoped3A_54 : memref<!tpu.dma_semaphore, #tpu.memory_space<semaphore_mem>>)
        %dma_wait3A_63 = arith.constant 0 : i32
        %dma_wait3A_64 = arith.constant 0 : i32
        %dma_wait3A_65 = tpu.memref_slice %arg3[%add3A_53, %dma_wait3A_63, %dma_wait3A_64] : memref<2500x1x128xi32, #tpu.memory_space<hbm>> -> memref<1x1x128xi32, #tpu.memory_space<hbm>>
        %dma_wait3A_66 = tpu.memref_squeeze %dma_wait3A_65 : memref<1x1x128xi32, #tpu.memory_space<hbm>> -> memref<1x128xi32, #tpu.memory_space<hbm>>
        %dma_wait3A_67 = arith.constant 0 : i32
        %dma_wait3A_68 = arith.constant 0 : i32
        %dma_wait3A_69 = tpu.memref_slice %arg3[%add3A_53, %dma_wait3A_67, %dma_wait3A_68] : memref<2500x1x128xi32, #tpu.memory_space<hbm>> -> memref<1x1x128xi32, #tpu.memory_space<hbm>>
        %dma_wait3A_70 = tpu.memref_squeeze %dma_wait3A_69 : memref<1x1x128xi32, #tpu.memory_space<hbm>> -> memref<1x128xi32, #tpu.memory_space<hbm>>
        tpu.wait_dma2 semaphore(%run_scoped3A_54 : memref<!tpu.dma_semaphore, #tpu.memory_space<semaphore_mem>>) src(%dma_wait3A_70 : memref<1x128xi32, #tpu.memory_space<hbm>>) dst(%arg6 : memref<1x128xi32, #tpu.memory_space<vmem>>)
        tpu.yield
      }) : () -> ()
      "tpu.region"() ({
        %run_scoped3A_54 = tpu.sem_alloc : memref<!tpu.dma_semaphore, #tpu.memory_space<semaphore_mem>>
        %dma_start3A_55 = arith.constant 0 : i32
        %dma_start3A_56 = arith.constant 0 : i32
        %dma_start3A_57 = tpu.memref_slice %arg2[%add3A_53, %dma_start3A_55, %dma_start3A_56] : memref<2500x128x128xf32, #tpu.memory_space<hbm>> -> memref<1x128x128xf32, #tpu.memory_space<hbm>>
        %dma_start3A_58 = tpu.memref_squeeze %dma_start3A_57 : memref<1x128x128xf32, #tpu.memory_space<hbm>> -> memref<128x128xf32, #tpu.memory_space<hbm>>
        %dma_start3A_59 = arith.constant 0 : i32
        %dma_start3A_60 = arith.constant 0 : i32
        %dma_start3A_61 = tpu.memref_slice %arg2[%add3A_53, %dma_start3A_59, %dma_start3A_60] : memref<2500x128x128xf32, #tpu.memory_space<hbm>> -> memref<1x128x128xf32, #tpu.memory_space<hbm>>
        %dma_start3A_62 = tpu.memref_squeeze %dma_start3A_61 : memref<1x128x128xf32, #tpu.memory_space<hbm>> -> memref<128x128xf32, #tpu.memory_space<hbm>>
        tpu.enqueue_dma source(%dma_start3A_62 : memref<128x128xf32, #tpu.memory_space<hbm>>) target(%arg7 : memref<128x128xf32, #tpu.memory_space<vmem>>) target_semaphore(%run_scoped3A_54 : memref<!tpu.dma_semaphore, #tpu.memory_space<semaphore_mem>>)
        %dma_wait3A_63 = arith.constant 0 : i32
        %dma_wait3A_64 = arith.constant 0 : i32
        %dma_wait3A_65 = tpu.memref_slice %arg2[%add3A_53, %dma_wait3A_63, %dma_wait3A_64] : memref<2500x128x128xf32, #tpu.memory_space<hbm>> -> memref<1x128x128xf32, #tpu.memory_space<hbm>>
        %dma_wait3A_66 = tpu.memref_squeeze %dma_wait3A_65 : memref<1x128x128xf32, #tpu.memory_space<hbm>> -> memref<128x128xf32, #tpu.memory_space<hbm>>
        %dma_wait3A_67 = arith.constant 0 : i32
        %dma_wait3A_68 = arith.constant 0 : i32
        %dma_wait3A_69 = tpu.memref_slice %arg2[%add3A_53, %dma_wait3A_67, %dma_wait3A_68] : memref<2500x128x128xf32, #tpu.memory_space<hbm>> -> memref<1x128x128xf32, #tpu.memory_space<hbm>>
        %dma_wait3A_70 = tpu.memref_squeeze %dma_wait3A_69 : memref<1x128x128xf32, #tpu.memory_space<hbm>> -> memref<128x128xf32, #tpu.memory_space<hbm>>
        tpu.wait_dma2 semaphore(%run_scoped3A_54 : memref<!tpu.dma_semaphore, #tpu.memory_space<semaphore_mem>>) src(%dma_wait3A_70 : memref<128x128xf32, #tpu.memory_space<hbm>>) dst(%arg7 : memref<128x128xf32, #tpu.memory_space<vmem>>)
        tpu.yield
      }) : () -> ()
      %run_scoped3A = arith.constant 0 : i32
      "tpu.region"() ({
        %run_scoped3A_54 = tpu.sem_alloc : memref<!tpu.dma_semaphore, #tpu.memory_space<semaphore_mem>>
        %dma_start3A_55 = arith.constant 0 : i32
        %dma_start3A_56 = tpu.memref_slice %arg6[%run_scoped3A, %dma_start3A_55] : memref<1x128xi32, #tpu.memory_space<vmem>> -> memref<1x128xi32, #tpu.memory_space<vmem>>
        %dma_start3A_57 = tpu.memref_squeeze %dma_start3A_56 : memref<1x128xi32, #tpu.memory_space<vmem>> -> memref<128xi32, #tpu.memory_space<vmem>>
        %dma_start3A_58 = arith.constant 0 : i32
        %dma_start3A_59 = arith.constant 0 : i32
        %dma_start3A_60 = tpu.memref_slice %arg9[%dma_start3A_58, %dma_start3A_59] : memref<10240x128xf32, #tpu.memory_space<vmem_shared>> -> memref<10240x128xf32, #tpu.memory_space<vmem_shared>>
        tpu.enqueue_indirect_dma source(%arg7 : memref<128x128xf32, #tpu.memory_space<vmem>>) target(%dma_start3A_60 : memref<10240x128xf32, #tpu.memory_space<vmem_shared>>) offsets(%dma_start3A_57 : memref<128xi32, #tpu.memory_space<vmem>>) semaphore(%run_scoped3A_54 : memref<!tpu.dma_semaphore, #tpu.memory_space<semaphore_mem>>) {add = true}
        %dma_wait3A_61 = arith.constant 0 : i32
        %dma_wait3A_62 = tpu.memref_slice %arg6[%run_scoped3A, %dma_wait3A_61] : memref<1x128xi32, #tpu.memory_space<vmem>> -> memref<1x128xi32, #tpu.memory_space<vmem>>
        %dma_wait3A_63 = tpu.memref_squeeze %dma_wait3A_62 : memref<1x128xi32, #tpu.memory_space<vmem>> -> memref<128xi32, #tpu.memory_space<vmem>>
        %dma_wait3A_64 = arith.constant 0 : i32
        %dma_wait3A_65 = arith.constant 0 : i32
        %dma_wait3A_66 = tpu.memref_slice %arg9[%dma_wait3A_64, %dma_wait3A_65] : memref<10240x128xf32, #tpu.memory_space<vmem_shared>> -> memref<10240x128xf32, #tpu.memory_space<vmem_shared>>
        tpu.wait_indirect_dma semaphore(%run_scoped3A_54 : memref<!tpu.dma_semaphore, #tpu.memory_space<semaphore_mem>>) src(%arg7 : memref<128x128xf32, #tpu.memory_space<vmem>>) dst(%dma_wait3A_66 : memref<10240x128xf32, #tpu.memory_space<vmem_shared>>)
        tpu.yield
      }) : () -> ()
    } else {
    }
    %barrier3A_51 = arith.constant 0 : index
    tpu.barrier barrier_id(%barrier3A_51)
    "tpu.region"() ({
      %run_scoped3A = tpu.sem_alloc : memref<!tpu.dma_semaphore, #tpu.memory_space<semaphore_mem>>
      %dma_start3A_52 = arith.constant 0 : i32
      %dma_start3A_53 = arith.constant 0 : i32
      %dma_start3A_54 = tpu.memref_slice %arg4[%arg0, %dma_start3A_52, %dma_start3A_53] : memref<2x10240x128xf32, #tpu.memory_space<hbm>> -> memref<1x10240x128xf32, #tpu.memory_space<hbm>>
      %dma_start3A_55 = tpu.memref_squeeze %dma_start3A_54 : memref<1x10240x128xf32, #tpu.memory_space<hbm>> -> memref<10240x128xf32, #tpu.memory_space<hbm>>
      %dma_start3A_56 = arith.constant 0 : i32
      %dma_start3A_57 = tpu.memref_slice %dma_start3A_55[%multiple_of3A, %dma_start3A_56] : memref<10240x128xf32, #tpu.memory_space<hbm>> -> memref<640x128xf32, #tpu.memory_space<hbm>>
      %dma_start3A_58 = arith.constant 0 : i32
      %dma_start3A_59 = tpu.memref_slice %arg9[%multiple_of3A, %dma_start3A_58] : memref<10240x128xf32, #tpu.memory_space<vmem_shared>> -> memref<640x128xf32, #tpu.memory_space<vmem_shared>>
      tpu.enqueue_dma source(%dma_start3A_59 : memref<640x128xf32, #tpu.memory_space<vmem_shared>>) target(%dma_start3A_57 : memref<640x128xf32, #tpu.memory_space<hbm>>) target_semaphore(%run_scoped3A : memref<!tpu.dma_semaphore, #tpu.memory_space<semaphore_mem>>)
      %dma_wait3A_60 = arith.constant 0 : i32
      %dma_wait3A_61 = arith.constant 0 : i32
      %dma_wait3A_62 = tpu.memref_slice %arg4[%arg0, %dma_wait3A_60, %dma_wait3A_61] : memref<2x10240x128xf32, #tpu.memory_space<hbm>> -> memref<1x10240x128xf32, #tpu.memory_space<hbm>>
      %dma_wait3A_63 = tpu.memref_squeeze %dma_wait3A_62 : memref<1x10240x128xf32, #tpu.memory_space<hbm>> -> memref<10240x128xf32, #tpu.memory_space<hbm>>
      %dma_wait3A_64 = arith.constant 0 : i32
      %dma_wait3A_65 = tpu.memref_slice %dma_wait3A_63[%multiple_of3A, %dma_wait3A_64] : memref<10240x128xf32, #tpu.memory_space<hbm>> -> memref<640x128xf32, #tpu.memory_space<hbm>>
      %dma_wait3A_66 = arith.constant 0 : i32
      %dma_wait3A_67 = tpu.memref_slice %arg9[%multiple_of3A, %dma_wait3A_66] : memref<10240x128xf32, #tpu.memory_space<vmem_shared>> -> memref<640x128xf32, #tpu.memory_space<vmem_shared>>
      tpu.wait_dma2 semaphore(%run_scoped3A : memref<!tpu.dma_semaphore, #tpu.memory_space<semaphore_mem>>) src(%dma_wait3A_67 : memref<640x128xf32, #tpu.memory_space<vmem_shared>>) dst(%dma_wait3A_65 : memref<640x128xf32, #tpu.memory_space<hbm>>)
      tpu.yield
    }) : () -> ()
    return
  }
}

module attributes {stable_mosaic.version = 14 : i64} {
  func.func @body(%arg0: i32, %arg1: memref<1x1x1280xi32, #tpu.memory_space<vmem>>, %arg2: memref<1x1x1280xi32, #tpu.memory_space<smem>>, %arg3: memref<1x1280x128xf32, #tpu.memory_space<vmem>>, %arg4: memref<10240x128xf32, #tpu.memory_space<vmem>>) attributes {dimension_semantics = [#tpu.dimension_semantics<arbitrary>], iteration_bounds = array<i64: 82>, scalar_prefetch = 0 : i64, scratch_operands = 0 : i64, tpu.core_type = #tpu.core_type<tc>, window_params = [{transform_indices = @transform_0, window_bounds = array<i64: 1, 1, 1280>}, {transform_indices = @transform_1, window_bounds = array<i64: 1, 1, 1280>}, {transform_indices = @transform_2, window_bounds = array<i64: 1, 1280, 128>}, {pipeline_mode = #tpu.pipeline_mode<synchronous>, transform_indices = @transform_3, window_bounds = array<i64: 10240, 128>}]} {
    %eq3A = arith.constant 0 : i32
    %eq3A_0 = arith.cmpi eq, %arg0, %eq3A : i32
    %convert_element_type3A = arith.extui %eq3A_0 : i1 to i32
    %cond3A = arith.constant 0 : i32
    %cond3A_1 = arith.cmpi ne, %convert_element_type3A, %cond3A : i32
    scf.if %cond3A_1 {
      %broadcast_in_dim3A = arith.constant 0.000000e+00 : f32
      %broadcast_in_dim3A_56 = vector.broadcast %broadcast_in_dim3A : f32 to vector<10240x128xf32>
      %swap3A = arith.constant 0 : index
      %swap3A_57 = arith.constant 0 : index
      %swap3A_58 = vector.load %arg4[%swap3A, %swap3A_57] : memref<10240x128xf32, #tpu.memory_space<vmem>>, vector<10240x128xf32>
      tpu.vector_store %arg4[%swap3A, %swap3A_57], %broadcast_in_dim3A_56 {strides = array<i32>} : memref<10240x128xf32, #tpu.memory_space<vmem>>, vector<10240x128xf32>,
    } else {
    }
    %get3A = arith.constant 0 : index
    %get3A_2 = arith.constant 0 : index
    %get3A_3 = arith.constant 0 : index
    %get3A_4 = memref.load %arg2[%get3A, %get3A_2, %get3A_3] : memref<1x1x1280xi32, #tpu.memory_space<smem>>
    %get3A_5 = arith.constant 0 : index
    %get3A_6 = arith.constant 0 : index
    %get3A_7 = arith.constant 1279 : index
    %get3A_8 = memref.load %arg2[%get3A_5, %get3A_6, %get3A_7] : memref<1x1x1280xi32, #tpu.memory_space<smem>>
    %jit3A = arith.constant 8 : i32
    %div3A = arith.divsi %get3A_4, %jit3A : i32
    %sign3A = arith.constant 0 : i32
    %sign3A_9 = arith.cmpi sgt, %get3A_4, %sign3A : i32
    %sign3A_10 = arith.extui %sign3A_9 : i1 to i32
    %sign3A_11 = arith.constant 0 : i32
    %sign3A_12 = arith.cmpi slt, %get3A_4, %sign3A_11 : i32
    %sign3A_13 = arith.extui %sign3A_12 : i1 to i32
    %sign3A_14 = arith.subi %sign3A_10, %sign3A_13 : i32
    %sign3A_15 = arith.constant 0 : i32
    %sign3A_16 = arith.cmpi sgt, %jit3A, %sign3A_15 : i32
    %sign3A_17 = arith.extui %sign3A_16 : i1 to i32
    %sign3A_18 = arith.constant 0 : i32
    %sign3A_19 = arith.cmpi slt, %jit3A, %sign3A_18 : i32
    %sign3A_20 = arith.extui %sign3A_19 : i1 to i32
    %sign3A_21 = arith.subi %sign3A_17, %sign3A_20 : i32
    %ne3A = arith.cmpi ne, %sign3A_14, %sign3A_21 : i32
    %rem3A = arith.remsi %get3A_4, %jit3A : i32
    %ne3A_22 = arith.constant 0 : i32
    %ne3A_23 = arith.cmpi ne, %rem3A, %ne3A_22 : i32
    %and3A = arith.andi %ne3A, %ne3A_23 : i1
    %sub3A = arith.constant 1 : i32
    %sub3A_24 = arith.subi %div3A, %sub3A : i32
    %select_n3A = arith.select %and3A, %sub3A_24, %div3A : i32
    %mul3A = arith.constant 8 : i32
    %mul3A_25 = arith.muli %select_n3A, %mul3A : i32
    %min3A = arith.constant 10112 : i32
    %min3A_26 = arith.minsi %mul3A_25, %min3A : i32
    %multiple_of3A = tpu.assume_multiple %min3A_26, 8 : i32
    %iota3A = tpu.iota {dimensions = array<i32: 0>} : vector<128x1xi32>
    %add3A = vector.broadcast %multiple_of3A : i32 to vector<128x1xi32>
    %add3A_27 = arith.addi %iota3A, %add3A : vector<128x1xi32>
    %get3A_28 = arith.constant 0 : index
    %get3A_29 = arith.constant 0 : index
    %get3A_30 = arith.constant 0 : index
    %get3A_31 = vector.load %arg1[%get3A_28, %get3A_29, %get3A_30] : memref<1x1x1280xi32, #tpu.memory_space<vmem>>, vector<1x1x1280xi32>
    %get3A_32 = vector.shape_cast %get3A_31 : vector<1x1x1280xi32> to vector<1x1280xi32>
    %eq3A_33 = vector.broadcast %add3A_27 : vector<128x1xi32> to vector<128x1280xi32>
    %eq3A_34 = vector.broadcast %get3A_32 : vector<1x1280xi32> to vector<128x1280xi32>
    %eq3A_35 = arith.cmpi eq, %eq3A_33, %eq3A_34 : vector<128x1280xi32>
    %convert_element_type3A_36 = arith.extui %eq3A_35 : vector<128x1280xi1> to vector<128x1280xi32>
    %convert_element_type3A_37 = arith.sitofp %convert_element_type3A_36 : vector<128x1280xi32> to vector<128x1280xf32>
    %convert_element_type3A_38 = arith.truncf %convert_element_type3A_37 : vector<128x1280xf32> to vector<128x1280xbf16>
    %get3A_39 = arith.constant 0 : index
    %get3A_40 = arith.constant 0 : index
    %get3A_41 = arith.constant 0 : index
    %get3A_42 = vector.load %arg3[%get3A_39, %get3A_40, %get3A_41] : memref<1x1280x128xf32, #tpu.memory_space<vmem>>, vector<1x1280x128xf32>
    %get3A_43 = vector.shape_cast %get3A_42 : vector<1x1280x128xf32> to vector<1280x128xf32>
    %convert_element_type3A_44 = arith.truncf %get3A_43 : vector<1280x128xf32> to vector<1280x128xbf16>
    %dot_general3A = arith.constant dense<0.000000e+00> : vector<128x128xf32>
    %dot_general3A_45 = tpu.matmul %convert_element_type3A_38, %convert_element_type3A_44, %dot_general3A {dimension_numbers = #tpu.dot_dimension_numbers<[1], [0], [0], [1], [0, 0, 1, 1], [], []>, transpose_lhs_hint = false} : vector<128x1280xbf16>, vector<1280x128xbf16>, vector<128x128xf32> -> vector<128x128xf32>
    %sub3A_46 = arith.subi %get3A_8, %multiple_of3A : i32
    %lt3A = arith.constant 128 : i32
    %lt3A_47 = arith.cmpi slt, %sub3A_46, %lt3A : i32
    %convert_element_type3A_48 = arith.extui %lt3A_47 : i1 to i32
    %cond3A_49 = arith.constant 0 : i32
    %cond3A_50 = arith.cmpi ne, %convert_element_type3A_48, %cond3A_49 : i32
    scf.if %cond3A_50 {
      %get3A_56 = arith.index_cast %multiple_of3A : i32 to index
      %get3A_57 = arith.constant 0 : index
      %get3A_58 = vector.load %arg4[%get3A_56, %get3A_57] : memref<10240x128xf32, #tpu.memory_space<vmem>>, vector<128x128xf32>
      %add3A_59 = arith.addf %get3A_58, %dot_general3A_45 : vector<128x128xf32>
      %swap3A = arith.index_cast %multiple_of3A : i32 to index
      %swap3A_60 = arith.constant 0 : index
      %swap3A_61 = vector.load %arg4[%swap3A, %swap3A_60] : memref<10240x128xf32, #tpu.memory_space<vmem>>, vector<128x128xf32>
      tpu.vector_store %arg4[%swap3A, %swap3A_60], %add3A_59 {strides = array<i32>} : memref<10240x128xf32, #tpu.memory_space<vmem>>, vector<128x128xf32>,
    } else {
    }
    %sub3A_51 = arith.subi %get3A_8, %multiple_of3A : i32
    %ge3A = arith.constant 128 : i32
    %ge3A_52 = arith.cmpi sge, %sub3A_51, %ge3A : i32
    %convert_element_type3A_53 = arith.extui %ge3A_52 : i1 to i32
    %cond3A_54 = arith.constant 0 : i32
    %cond3A_55 = arith.cmpi ne, %convert_element_type3A_53, %cond3A_54 : i32
    scf.if %cond3A_55 {
      %scan3A = arith.constant 0 : i32
      %scan3A_56 = arith.constant 1280 : i32
      %scan3A_57 = arith.addi %scan3A, %scan3A_56 : i32
      %scan3A_58 = arith.constant 1 : i32
      scf.for %scan3A_60 = %scan3A to %scan3A_57 step %scan3A_58  : i32 {
        %get3A_61 = arith.constant 0 : index
        %get3A_62 = arith.constant 0 : index
        %get3A_63 = arith.index_cast %scan3A_60 : i32 to index
        %get3A_64 = memref.load %arg2[%get3A_61, %get3A_62, %get3A_63] : memref<1x1x1280xi32, #tpu.memory_space<smem>>
        %get3A_65 = arith.index_cast %get3A_64 : i32 to index
        %get3A_66 = arith.constant 0 : index
        %get3A_67 = vector.load %arg4[%get3A_65, %get3A_66] : memref<10240x128xf32, #tpu.memory_space<vmem>>, vector<1x128xf32>
        %get3A_68 = arith.constant 0 : index
        %get3A_69 = arith.index_cast %scan3A_60 : i32 to index
        %get3A_70 = arith.constant 0 : index
        %get3A_71 = vector.load %arg3[%get3A_68, %get3A_69, %get3A_70] : memref<1x1280x128xf32, #tpu.memory_space<vmem>>, vector<1x1x128xf32>
        %get3A_72 = vector.shape_cast %get3A_71 : vector<1x1x128xf32> to vector<1x128xf32>
        %add3A_73 = arith.addf %get3A_67, %get3A_72 : vector<1x128xf32>
        %swap3A = arith.index_cast %get3A_64 : i32 to index
        %swap3A_74 = arith.constant 0 : index
        %swap3A_75 = vector.load %arg4[%swap3A, %swap3A_74] : memref<10240x128xf32, #tpu.memory_space<vmem>>, vector<1x128xf32>
        tpu.vector_store %arg4[%swap3A, %swap3A_74], %add3A_73 {strides = array<i32>} : memref<10240x128xf32, #tpu.memory_space<vmem>>, vector<1x128xf32>,
      }
      %scan3A_59 = arith.constant 1280 : i32
    } else {
    }
    return
  }
  func.func @transform_0(%arg0: i32) -> (i32, i32, i32) {
    %add3A = arith.constant 168 : i32
    %add3A_0 = arith.addi %add3A, %arg0 : i32
    %c0_i32 = arith.constant 0 : i32
    %c0_i32_1 = arith.constant 0 : i32
    %c0_i32_2 = arith.constant 0 : i32
    return %add3A_0, %c0_i32, %c0_i32_1 : i32, i32, i32
  }
  func.func @transform_1(%arg0: i32) -> (i32, i32, i32) {
    %add3A = arith.constant 168 : i32
    %add3A_0 = arith.addi %add3A, %arg0 : i32
    %c0_i32 = arith.constant 0 : i32
    %c0_i32_1 = arith.constant 0 : i32
    %c0_i32_2 = arith.constant 0 : i32
    return %add3A_0, %c0_i32, %c0_i32_1 : i32, i32, i32
  }
  func.func @transform_2(%arg0: i32) -> (i32, i32, i32) {
    %add3A = arith.constant 168 : i32
    %add3A_0 = arith.addi %add3A, %arg0 : i32
    %c0_i32 = arith.constant 0 : i32
    %c0_i32_1 = arith.constant 0 : i32
    %c0_i32_2 = arith.constant 0 : i32
    return %add3A_0, %c0_i32, %c0_i32_1 : i32, i32, i32
  }
  func.func @transform_3(%arg0: i32) -> (i32, i32) {
    %c0_i32 = arith.constant 0 : i32
    %c0_i32_0 = arith.constant 0 : i32
    %c0_i32_1 = arith.constant 0 : i32
    return %c0_i32, %c0_i32_0 : i32, i32
  }
}

module attributes {stable_mosaic.version = 14 : i64} {
  func.func @body(%arg0: i32, %arg1: memref<2x1000x128xf32, #tpu.memory_space<vmem>>, %arg2: memref<1000x128xf32, #tpu.memory_space<vmem>>, %arg3: memref<1000x128xf32, #tpu.memory_space<vmem>>) attributes {dimension_semantics = [#tpu.dimension_semantics<arbitrary>], iteration_bounds = array<i64: 10>, scalar_prefetch = 0 : i64, scratch_operands = 0 : i64, tpu.core_type = #tpu.core_type<tc>, window_params = [{transform_indices = @transform_0, window_bounds = array<i64: 2, 1000, 128>}, {transform_indices = @transform_1, window_bounds = array<i64: 1000, 128>}, {transform_indices = @transform_2, window_bounds = array<i64: 1000, 128>}]} {
    %get3A = arith.constant 0 : index
    %get3A_0 = arith.constant 0 : index
    %get3A_1 = arith.constant 0 : index
    %get3A_2 = vector.load %arg1[%get3A, %get3A_0, %get3A_1] : memref<2x1000x128xf32, #tpu.memory_space<vmem>>, vector<1x1000x128xf32>
    %get3A_3 = vector.shape_cast %get3A_2 : vector<1x1000x128xf32> to vector<1000x128xf32>
    %get3A_4 = arith.constant 1 : index
    %get3A_5 = arith.constant 0 : index
    %get3A_6 = arith.constant 0 : index
    %get3A_7 = vector.load %arg1[%get3A_4, %get3A_5, %get3A_6] : memref<2x1000x128xf32, #tpu.memory_space<vmem>>, vector<1x1000x128xf32>
    %get3A_8 = vector.shape_cast %get3A_7 : vector<1x1000x128xf32> to vector<1000x128xf32>
    %add3A = arith.addf %get3A_3, %get3A_8 : vector<1000x128xf32>
    %get3A_9 = arith.constant 0 : index
    %get3A_10 = arith.constant 0 : index
    %get3A_11 = vector.load %arg2[%get3A_9, %get3A_10] : memref<1000x128xf32, #tpu.memory_space<vmem>>, vector<1000x128xf32>
    %add3A_12 = arith.addf %add3A, %get3A_11 : vector<1000x128xf32>
    %swap3A = arith.constant 0 : index
    %swap3A_13 = arith.constant 0 : index
    %swap3A_14 = vector.load %arg3[%swap3A, %swap3A_13] : memref<1000x128xf32, #tpu.memory_space<vmem>>, vector<1000x128xf32>
    tpu.vector_store %arg3[%swap3A, %swap3A_13], %add3A_12 {strides = array<i32>} : memref<1000x128xf32, #tpu.memory_space<vmem>>, vector<1000x128xf32>,
    return
  }
  func.func @transform_0(%arg0: i32) -> (i32, i32, i32) {
    %c0_i32 = arith.constant 0 : i32
    %c0_i32_0 = arith.constant 0 : i32
    %c0_i32_1 = arith.constant 0 : i32
    return %c0_i32, %arg0, %c0_i32_0 : i32, i32, i32
  }
  func.func @transform_1(%arg0: i32) -> (i32, i32) {
    %c0_i32 = arith.constant 0 : i32
    %c0_i32_0 = arith.constant 0 : i32
    return %arg0, %c0_i32 : i32, i32
  }
  func.func @transform_2(%arg0: i32) -> (i32, i32) {
    %c0_i32 = arith.constant 0 : i32
    %c0_i32_0 = arith.constant 0 : i32
    return %arg0, %c0_i32 : i32, i32
  }
}

</mosaic_0001>

<sc_bundles>
// kernel: kernel.5.cloned.1.call-start
scs
__scs_entry_jumppad:
0x0: {  	(pc) =	sbr.rel $0x88, $3  }
0x1: {  	(tag) =	ssettag $0x0;
	lr =	simm.s32 $0x1  }
0x2: {  	[smem:$0x3F9F] =	sst lr;
	_ =	strace $0xD0000000  }
0x3: {  	_ = 	snop  }
0x4: {  	_ = 	snop  }
0x5: {  	_ = 	snop  }
0x6: {  	_ = 	snop  }
0x7: {  	_ = 	snop  }
__scs_overlays_trampoline_lowered:
0x8: {  	[smem:$0x3FAE] =	sst s0  }
0x9: {  	[smem:$0x3FAF] =	sst s1  }
0xa: {  	[smem:$0x3FB0] =	sst s2  }
0xb: {  	[smem:$0x3FB1] =	sst s3  }
0xc: {  	[smem:$0x3FB2] =	sst s4  }
0xd: {  	[smem:$0x3FB3] =	sst s5  }
0xe: {  	[smem:$0x3FB4] =	sst s6  }
0xf: {  	[smem:$0x3FB5] =	sst s7  }
0x10: {  	[smem:$0x3FB6] =	sst s8  }
0x11: {  	[smem:$0x3FB7] =	sst s9;
	s0 =	simm.s32 @!p0 $0x0  }
0x12: {  	s1 =	sld [smem:$0x3F9D];
	s0 =	simm.s32 @p0 $0x1  }
0x13: {  	[smem:$0x3FB8] =	sst s0;
	s0 =	simm.s32 @!p1 $0x0  }
0x14: {  	s2 =	sld [smem:$0x3F9C];
	s0 =	simm.s32 @p1 $0x1  }
0x15: {  	[smem:$0x3FB9] =	sst s0;
	s0 =	simm.s32 @!p2 $0x0  }
0x16: {  	s3 =	sld [smem:$0x3FDB];
	s0 =	simm.s32 @p2 $0x1  }
0x17: {  	s4 =	simm.s32 $0x1BF5;
	[smem:$0x3FBB] =	sst s0  }
0x18: {  	s0 =	sld [smem:$0x3F9E];
	_ =	swait.ge [sflag:s4], $0x0  }
0x19: {  	s7 =	sld [smem:$0x3F9F]  }
0x1a: {  	s8 =	sadd.s32 $0xFFFFE003, lr  }
0x1b: {  	s9 =	sadd.s32 $0xFFFFFEF7, lr;
	s5 =	simm.s32 $0xFFFFFFFF;
	p2 =	slt.u32 s8, $0xFFFFF086  }
0x1c: {  	p1 =	slt.u32 s9, $0xF7A;
	s5 =	simm.s32 @!p2 $0x0  }
0x1d: {  	s5 =	simm.s32 @p1 $0x1;
	p0 =	seq.s32 s7, s2  }
0x1e: {  	s7 =	smul.u32 @!p0 $0xF7A, s2;
	p2 =	seq.s32 @!p0 s5, $0x0  }
0x1f: {  	s9 =	smul.u32 $0xF7A, s1;
	s8 =	simm.s32 @!p0 $0x1BF5;
	p2 =	por !p2, p0  }
0x20: {  	[sflag:s8] =	ssyncset.s32 @!p0 $0xFFFFF086;
	s6 =	sadd.s32 @!p0 s3, s7;
	s7 =	simm.s32 @!p0 $0x108  }
0x21: {  	s3 =	sadd.s32 s3, s9;
	s6 =	sadd.s32 @!p0 $0x88, s6;
	s7 =	simm.s32 @p2 $0x1082  }
0x22: {  	[simem:s7], [sflag:s8] =	dma.local @!p0 [hbm:s6], $0xF7A  }
0x23: {  	s9 =	sor.u32 $0xD0000000, s2;
	s6 =	simm.s32 $0x108;
	_ =	swait.ge @!p0 [sflag:s8], $0x0  }
0x24: {  	s3 =	sadd.s32 $0x88, s3;
	s6 =	simm.s32 @!p1 $0x1082;
	[sflag:s4] =	ssyncset.s32 $0xFFFFF086  }
0x25: {  	[simem:s6], [sflag:s4] =	dma.local [hbm:s3], $0xF7A  }
0x26: {  	[smem:$0x3F9F] =	sst s1;
	(tag) =	ssettag s2;
	_ =	strace s9  }
0x27: {  	s1 =	sld [smem:$0x3FAF]  }
0x28: {  	s2 =	sld [smem:$0x3FB0]  }
0x29: {  	s4 =	sld [smem:$0x3FB2]  }
0x2a: {  	p0 =	seq.s32 s5, $0x0;
	s5 =	sld [smem:$0x3FB3]  }
0x2b: {  	s6 =	sld [smem:$0x3FB4]  }
0x2c: {  	s7 =	sld [smem:$0x3FB5]  }
0x2d: {  	s3 =	simm.s32 $0x108;
	s8 =	sld [smem:$0x3FB6]  }
0x2e: {  	s3 =	simm.s32 @!p0 $0x1082;
	s9 =	sld [smem:$0x3FB7]  }
0x2f: {  	lr =	sadd.s32 s0, s3;
	s0 =	sld [smem:$0x3FAE]  }
0x30: {  	s3 =	sld [smem:$0x3FB1]  }
0x31: {  	[smem:$0x3FBA] =	sst s10  }
0x32: {  	s10 =	sld [smem:$0x3FB8];
	_ =	sdelay $0x3  }
0x33: {  	p0 =	seq.s32 s10, $0x1;
	s10 =	sld [smem:$0x3FBA];
	_ =	sdelay $0x3  }
0x34: {  	[smem:$0x3FBA] =	sst s10  }
0x35: {  	s10 =	sld [smem:$0x3FB9];
	_ =	sdelay $0x3  }
0x36: {  	p1 =	seq.s32 s10, $0x1;
	s10 =	sld [smem:$0x3FBA];
	_ =	sdelay $0x3  }
0x37: {  	[smem:$0x3FBA] =	sst s10  }
0x38: {  	s10 =	sld [smem:$0x3FBB]  }
0x39: {  	_ = 	snop;
	(pc) =	sbr.ind lr, $3  }
0x3a: {  	_ = 	snop  }
0x3b: {  	_ = 	snop  }
0x3c: {  	p2 =	seq.s32 s10, $0x1;
	s10 =	sld [smem:$0x3FBA]  }
0x3d: {  	_ =	shalt  }
0x3e: {  	_ =	shalt  }
0x3f: {  	_ =	shalt  }
0x40: {  	_ =	shalt  }
0x41: {  	_ =	shalt  }
0x42: {  	_ =	shalt  }
0x43: {  	_ =	shalt  }
0x44: {  	_ =	shalt  }
0x45: {  	_ =	shalt  }
0x46: {  	_ =	shalt  }
0x47: {  	_ =	shalt  }
0x48: {  	_ =	shalt  }
0x49: {  	_ =	shalt  }
0x4a: {  	_ =	shalt  }
0x4b: {  	_ =	shalt  }
0x4c: {  	_ =	shalt  }
0x4d: {  	_ =	shalt  }
0x4e: {  	_ =	shalt  }
0x4f: {  	_ =	shalt  }
0x50: {  	_ =	shalt  }
0x51: {  	_ =	shalt  }
0x52: {  	_ =	shalt  }
0x53: {  	_ =	shalt  }
0x54: {  	_ =	shalt  }
0x55: {  	_ =	shalt  }
0x56: {  	_ =	shalt  }
0x57: {  	_ =	shalt  }
0x58: {  	_ =	shalt  }
0x59: {  	_ =	shalt  }
0x5a: {  	_ =	shalt  }
0x5b: {  	_ =	shalt  }
0x5c: {  	_ =	shalt  }
0x5d: {  	_ =	shalt  }
0x5e: {  	_ =	shalt  }
0x5f: {  	_ =	shalt  }
0x60: {  	_ =	shalt  }
0x61: {  	_ =	shalt  }
0x62: {  	_ =	shalt  }
0x63: {  	_ =	shalt  }
0x64: {  	_ =	shalt  }
0x65: {  	_ =	shalt  }
0x66: {  	_ =	shalt  }
0x67: {  	_ =	shalt  }
0x68: {  	_ =	shalt  }
0x69: {  	_ =	shalt  }
0x6a: {  	_ =	shalt  }
0x6b: {  	_ =	shalt  }
0x6c: {  	_ =	shalt  }
0x6d: {  	_ =	shalt  }
0x6e: {  	_ =	shalt  }
0x6f: {  	_ =	shalt  }
0x70: {  	_ =	shalt  }
0x71: {  	_ =	shalt  }
0x72: {  	_ =	shalt  }
0x73: {  	_ =	shalt  }
0x74: {  	_ =	shalt  }
0x75: {  	_ =	shalt  }
0x76: {  	_ =	shalt  }
0x77: {  	_ =	shalt  }
0x78: {  	_ =	shalt  }
0x79: {  	_ =	shalt  }
0x7a: {  	_ =	shalt  }
0x7b: {  	_ =	shalt  }
0x7c: {  	_ =	shalt  }
0x7d: {  	_ =	shalt  }
0x7e: {  	_ =	shalt  }
0x7f: {  	_ =	shalt  }
0x80: {  	_ =	shalt  }
0x81: {  	_ =	shalt  }
0x82: {  	_ =	shalt  }
0x83: {  	_ =	shalt  }
0x84: {  	_ =	shalt  }
0x85: {  	_ =	shalt  }
0x86: {  	_ =	shalt  }
0x87: {  	_ =	shalt  }
.Lfunc_end0:
.L_simem_size_0:
called_computation_lowered:
.L_overlay_start_0:
0x88: {  	s2 =	sld [smem:$0x3FD9]  }
0x89: {  	s3 =	sld [smem:$0x3FFE];
	_ =	sdelay $0x1  }
0x8a: {  	s1 =	srdreg.scid  }
0x8b: {  	s0 =	sand.u32 $0x1, s1  }
0x8c: {  	s17 =	sshll.u32 s0, $0xA;
	s2 =	sadd.s32 s3, s2  }
0x8d: {  	s2 =	sadd.s32 s2, s17  }
0x8e: {  	[smem:$0x3FC6] =	sst s2  }
0x8f: {  	_ = 	snop  }
0x90: {  	s2 =	sld [smem:$0x3FC9]  }
0x91: {  	s18 =	sld [smem:$0x3FD0];
	(tm) =	ssettm $0x1  }
0x92: {  	s4 =	sld [smem:$0x3FFB];
	_ =	sdelay $0x3  }
0x93: {  	_ =	strace s4  }
0x94: {  	s4 =	sld [smem:$0x3FFC];
	_ =	sdelay $0x3  }
0x95: {  	_ =	strace s4  }
0x96: {  	s4 =	sld [smem:$0x3FFD];
	_ =	sdelay $0x3  }
0x97: {  	_ =	strace s4  }
0x98: {  	_ =	strace $0x8FFFFFFF  }
0x99: {  	s19 =	sld [smem:$0x3FDB];
	_ =	sdelay $0x1  }
0x9a: {  	s5 =	simm.s32 $_scs_section_size  }
0x9b: {  	s6 =	simm.s32 $_size__tile_overlayer_lowered;
	s7 =	simm.s32 $_tile_overlayer_lowered  }
0x9c: {  	s22 =	simm.s32 $0x1BFF;
	s21 =	sshll.u32 s7, $0x1;
	s4 =	sadd.s32 s5, s19  }
0x9d: {  	s8 =	simm.s32 $0x0;
	s20 =	sshll.u32 s6, $0x1;
	s6 =	sadd.s32 s21, s4  }
0x9e: {  	[timem:s8], [sflag:s22] =	dma.local [hbm:s6], s20  }
0x9f: {  	_ =	swait.ge [sflag:s22], s20  }
0xa0: {  	s5 =	ssub.s32 $0x0, s20;
	[sflag:s22] =	ssyncset.done $0x0  }
0xa1: {  	[sflag:s22] =	ssyncadd.s32 s5;
	_ =	sdelay $0x1  }
0xa2: {  	s23 =	simm.s32 $0x1B8B  }
0xa3: {  	_ =	swait.ge [sflag:s23], $0x1  }
0xa4: {  	[sflag:s23] =	ssyncset.done $0x0  }
0xa5: {  	s25 =	simm.s32 $0x1B8E;
	s24 =	sld [smem:$0x3FFE];
	[sflag:s23] =	ssyncadd.s32 $0xFFFFFFFF  }
0xa6: {  	s26 =	simm.s32 $execute0_lowered;
	[smem:$0x3FD2] =	sst s25  }
0xa7: {  	s6 =	sshll.u32 s26, $0x1;
	_ =	strace $0x80000046;
	[dreg:$0x1] =	wrdreg $0xFFFFFFFF  }
0xa8: {  	s28 =	simm.s32 $_size_execute0_lowered;
	s4 =	sadd.s32 s4, s6;
	[dreg:$0x0] =	wrdreg $0x0  }
0xa9: {  	s6 =	sshll.u32 s28, $0x1;
	[dreg:$0x2] =	wrdreg s4  }
0xaa: {  	[dreg:$0x3] =	wrdreg s6  }
0xab: {  	[dreg:$0x4] =	wrdreg $0xC0  }
0xac: {  	_ =	task [dreg:s8], $0x5FFFF  }
0xad: {  	[dreg:$0x1] =	wrdreg $0xFFFFFFFF  }
0xae: {  	[dreg:$0x0] =	wrdreg $0x60  }
0xaf: {  	[dreg:$0x2] =	wrdreg s2  }
0xb0: {  	[dreg:$0x3] =	wrdreg s18  }
0xb1: {  	[dreg:$0x4] =	wrdreg s24  }
0xb2: {  	[dreg:$0x5] =	wrdreg $0x9A800  }
0xb3: {  	[dreg:$0x6] =	wrdreg $0x9  }
0xb4: {  	_ =	task.clear_ibuf [dreg:s8], $0x7FFFF;
	_ =	strace $0x90000046  }
0xb5: {  	s29 =	simm.s32 $0x9;
	_ =	strace $0x80000048  }
0xb6: {  	_ =	swait.ge [sflag:s29], $0x1  }
0xb7: {  	[sflag:s29] =	ssyncadd.s32 $0xFFFFFFFF  }
0xb8: {  	_ =	strace $0x90000048  }
0xb9: {  	_ =	sfence  }
0xba: {  	s30 =	sld [smem:$0x0];
	_ =	sdelay $0x2  }
0xbb: {  	s31 =	sshll.u32 s1, $0xD;
	s1 =	sshrl.u32 s1, $0x2  }
0xbc: {  	s3 =	sand.u32 $0x4000, s31;
	s1 =	sadd.s32 s1, s30  }
0xbd: {  	s0 =	sor.u32 s3, s0;
	s1 =	sshll.u32 s1, $0x11  }
0xbe: {  	s0 =	sor.u32 s1, s0  }
0xbf: {  	s0 =	sadd.s32 $0x8F2B, s0  }
0xc0: {  	[sflag:s0] =	ssyncadd.remote.s32 $0x1  }
0xc1: {  	_ =	sfence.sel $0xFFFF  }
0xc2: {  	[dreg:$0x0] =	wrdreg $0xFFFFFFFF;
	(pc) =	sbr.abs _section_cstart, $3  }
0xc3: {  	[dreg:$0x1] =	wrdreg $0xFFFFFFFF  }
0xc4: {  	_ =	task.clear_ibuf [dreg:s8], $0x2FFFF;
	_ =	strace $0x9FFFFFFF  }
0xc5: {  	(tm) =	ssettm $0x7FFFFFFF  }
tec
execute0_lowered:
.L_overlay_start_1:
0x0: {  	(tag) =	ssettag $0x1  }
0x1: {  	s13 =	rddreg [dreg:$0x0]  }
0x2: {  	s8 =	rddreg [dreg:$0x1]  }
0x3: {  	s4 =	rddreg [dreg:$0x2]  }
0x4: {  	s2 =	rddreg [dreg:$0x3];
	s3 =	srdreg.scid  }
0x5: {  	s1 =	stileid.u32;
	s0 =	rddreg [dreg:$0x4];
	s18 =	simm.s32 $0x4  }
0x6: {  	s19 =	simm.s32 $0x3;
	s20 =	simm.s32 $0x1;
	s21 =	simm.s32 $0x80  }
0x7: {  	s22 =	simm.s32 $0x2;
	s23 =	simm.s32 $0x1900;
	s14 =	smul.u32 $0x50000, s1  }
0x8: {  	s9 =	sand.u32 $0x1, s3;
	s5 =	sshll.u32 s1, $0x1;
	s16 =	smul.u32 $0x68, s1  }
0x9: {  	s3 =	simm.s32 $0x0;
	p0 =	sgt.u32 s1, $0x7;
	s6 =	smul.u32 $0x28000, s9  }
0xa: {  	s5 =	sor.u32 s9, s5;
	[smem:$0x7FF] =	sst s3;
	s17 =	smul.u32 $0x34, s9  }
0xb: {  	s10 =	ssub.s32 $0x2, s9;
	s7 =	smul.u32 $0x34, s5;
	_ =	strace $0x80000047  }
0xc: {  	s11 =	smin.u32 s5, $0x10;
	s24 =	sshrl.u32 s10, $0x1;
	s14 =	sshrl.u32 s14, $0x2  }
0xd: {  	s12 =	sadd.s32 s6, s4;
	s10 =	ssub.s32 s10, s24;
	s7 =	sadd.s32 s11, s7  }
0xe: {  	s11 =	sadd.s32 s16, s11;
	s24 =	sadd.s32 $0x800, s12;
	s10 =	smax.u32 s10, $0x1  }
0xf: {  	s16 =	simm.s32 $0x5A80;
	s25 =	sshll.u32 s7, $0x4;
	s26 =	sshll.u32 s7, $0xB  }
0x10: {  	s15 =	sadd.s32 $0x34, s7;
	s7 =	sadd.s32 s14, s2;
	s11 =	sadd.s32 s17, s11  }
0x11: {  	s17 =	simm.s32 $0x1A80;
	s4 =	sadd.s32 s8, s25;
	s5 =	sadd.s32 s13, s26  }
0x12: {  	s28 =	sshll.u32 s15, $0x4;
	s15 =	sshll.u32 s15, $0xB;
	s25 =	smul.u32 $0x2800, s1  }
0x13: {  	s30 =	sshll.u32 s11, $0xB;
	s11 =	sadd.s32 $0x4000, s7;
	s12 =	sadd.s32 $0x8000, s7  }
0x14: {  	s26 =	simm.s32 $0x0;
	s6 =	sadd.s32 $0x800, s5;
	s14 =	sand.u32 $0x1FFFFFF0, s28  }
0x15: {  	s29 =	sand.u32 $0x1FFFF800, s15;
	s31 =	sadd.s32 s30, s13;
	s8 =	sadd.s32 s8, s14  }
0x16: {  	s9 =	sadd.s32 s13, s29;
	s13 =	sadd.s32 $0xC000, s7;
	s14 =	sadd.s32 $0x10000, s7  }
0x17: {  	v0 =	vimm.f32 $0.0e+00;
	s15 =	sadd.s32 $0x1000, s31;
	s24 =	sadd.s32 s25, s24;
	s25 =	simm.s32 $0x1980  }
.LBB2_1:
0x18: {  	[tilespmem:s3], [sflag:$0x3] =	stream.linear.gather [hbm4b:s4+s3], $0x1A00, $0x38;
	[tilespmem:$0x1DA80] =	vst v63  }
0x19: {  	s28 =	simm.s32 $0x0;
	s29 =	simm.s32 $0x200  }
0x1a: {  	[tilespmem:s16], [sflag:$0x2] =	stream.linear.gather [hbm4b:s6+s3], $0x4000, $0x38;
	[tilespmem:$0x1DA80] =	vst v63  }
.LBB2_2:
0x1b: {  	p1 =	sne.s32 s29, $0xFE00;
	[tilespmem:s28+$0x1AF0] =	vst v0  }
0x1c: {  	[tilespmem:s28+$0x1A80] =	vst v0  }
0x1d: {  	[tilespmem:s28+$0x1A90] =	vst v0  }
.Ltmp0:
0x1e: {  	[tilespmem:s28+$0x1AA0] =	vst v0;
	(pc) =	sbr.rel @p1 .LBB2_2-.Ltmp0, $4  }
0x1f: {  	[tilespmem:s28+$0x1AB0] =	vst v0  }
0x20: {  	[tilespmem:s28+$0x1AC0] =	vst v0  }
0x21: {  	[tilespmem:s28+$0x1AD0] =	vst v0  }
0x22: {  	[tilespmem:s28+$0x1AE0] =	vst v0;
	s28 =	sshra.s32 s29, $0x2;
	s29 =	sadd.s32 $0x200, s29  }
0x23: {  	[tilespmem:s28+$0x1AF0] =	vst v0  }
0x24: {  	[tilespmem:s28+$0x1A80] =	vst v0  }
0x25: {  	[tilespmem:s28+$0x1A90] =	vst v0  }
0x26: {  	[tilespmem:s28+$0x1AA0] =	vst v0  }
0x27: {  	[tilespmem:s28+$0x1AB0] =	vst v0  }
0x28: {  	[tilespmem:s28+$0x1AC0] =	vst v0  }
0x29: {  	[tilespmem:s28+$0x1AD0] =	vst v0  }
0x2a: {  	[tilespmem:s28+$0x1AE0] =	vst v0  }
0x2b: {  	[spmem:s7] =	stream.linear.scatter [tilespmem:s17], [sflag:$0x4], $0x4000, $0x38;
	[tilespmem:$0x1DA80] =	vst v63  }
0x2c: {  	_ =	swait.ge [sflag:s18], $0x4000  }
0x2d: {  	[sflag:s18] =	ssyncset.done $0x0  }
0x2e: {  	[sflag:s18] =	ssyncadd.s32 $0xFFFFC000  }
0x2f: {  	[spmem:s11] =	stream.linear.scatter [tilespmem:s17], [sflag:$0x4], $0x4000, $0x38;
	[tilespmem:$0x1DA80] =	vst v63  }
0x30: {  	_ =	swait.ge [sflag:s18], $0x4000  }
0x31: {  	[sflag:s18] =	ssyncset.done $0x0  }
0x32: {  	[sflag:s18] =	ssyncadd.s32 $0xFFFFC000  }
0x33: {  	[spmem:s12] =	stream.linear.scatter [tilespmem:s17], [sflag:$0x4], $0x4000, $0x38;
	[tilespmem:$0x1DA80] =	vst v63  }
0x34: {  	_ =	swait.ge [sflag:s18], $0x4000  }
0x35: {  	[sflag:s18] =	ssyncset.done $0x0  }
0x36: {  	[sflag:s18] =	ssyncadd.s32 $0xFFFFC000  }
0x37: {  	[spmem:s13] =	stream.linear.scatter [tilespmem:s17], [sflag:$0x4], $0x4000, $0x38;
	[tilespmem:$0x1DA80] =	vst v63  }
0x38: {  	_ =	swait.ge [sflag:s18], $0x4000  }
0x39: {  	[sflag:s18] =	ssyncset.done $0x0  }
0x3a: {  	[sflag:s18] =	ssyncadd.s32 $0xFFFFC000  }
0x3b: {  	[spmem:s14] =	stream.linear.scatter [tilespmem:s17], [sflag:$0x4], $0x4000, $0x38;
	[tilespmem:$0x1DA80] =	vst v63  }
0x3c: {  	_ =	swait.ge [sflag:s18], $0x4000  }
0x3d: {  	[sflag:s18] =	ssyncset.done $0x0  }
0x3e: {  	s28 =	simm.s32 $0x0;
	[sflag:s18] =	ssyncadd.s32 $0xFFFFC000  }
0x3f: {  	[tilespmem:s17], [sflag:$0x1] =	stream.linear.gather [hbm4b:s5+s28], $0x4000, $0x38;
	[tilespmem:$0x1DA80] =	vst v63  }
0x40: {  	_ =	swait.ge [sflag:s19], $0x1A00  }
0x41: {  	[sflag:s19] =	ssyncset.done $0x0  }
0x42: {  	[sflag:s19] =	ssyncadd.s32 $0xFFFFE600  }
0x43: {  	[bflag:$0x0] =	sbarrier.arrive $0xFFFF  }
0x44: {  	_ =	swait.ge [sflag:s20], $0x4000  }
0x45: {  	[sflag:s20] =	ssyncset.done $0x0  }
0x46: {  	s28 =	simm.s32 $0x0;
	[sflag:s20] =	ssyncadd.s32 $0xFFFFC000  }
0x47: {  	[spmem:s2] =	stream.indirect.scatter.add.f32 [tilespmem:s17], [sflag:$0x4], $0x80, s28, s21, $0xb8;
	[tilespmem:$0x1DA80] =	vst v63  }
0x48: {  	_ =	swait.ge [sflag:s18], $0x4000  }
0x49: {  	[sflag:s18] =	ssyncset.done $0x0  }
0x4a: {  	[sflag:s18] =	ssyncadd.s32 $0xFFFFC000  }
0x4b: {  	[tilespmem:s17], [sflag:$0x1] =	stream.linear.gather [hbm4b:s15+s3], $0x4000, $0x38;
	[tilespmem:$0x1DA80] =	vst v63  }
0x4c: {  	_ =	swait.ge [sflag:s22], $0x4000  }
0x4d: {  	[sflag:s22] =	ssyncset.done $0x0  }
0x4e: {  	s28 =	simm.s32 $0x80;
	[sflag:s22] =	ssyncadd.s32 $0xFFFFC000  }
0x4f: {  	[spmem:s2] =	stream.indirect.scatter.add.f32 [tilespmem:s16], [sflag:$0x4], $0x80, s28, s21, $0xb8;
	[tilespmem:$0x1DA80] =	vst v63  }
0x50: {  	_ =	swait.ge [sflag:s18], $0x4000  }
0x51: {  	s30 =	sadd.s32 $0x800, s15;
	[sflag:s18] =	ssyncset.done $0x0  }
0x52: {  	s29 =	sadd.s32 $0x1000, s15;
	s28 =	simm.s32 $0x400;
	[sflag:s18] =	ssyncadd.s32 $0xFFFFC000  }
.LBB2_4:
0x53: {  	[tilespmem:s16], [sflag:$0x2] =	stream.linear.gather [hbm4b:s30+s3], $0x4000, $0x38;
	[tilespmem:$0x1DA80] =	vst v63  }
0x54: {  	s30 =	smov.u32 s28  }
0x55: {  	p1 =	sne.s32 s28, $0x6000;
	s28 =	sadd.s32 $0x400, s28;
	_ =	swait.ge [sflag:s20], $0x4000  }
0x56: {  	[sflag:s20] =	ssyncset.done $0x0  }
0x57: {  	s30 =	sshra.s32 s30, $0x2;
	[sflag:s20] =	ssyncadd.s32 $0xFFFFC000  }
0x58: {  	[spmem:s2] =	stream.indirect.scatter.add.f32 [tilespmem:s17], [sflag:$0x4], $0x80, s30, s21, $0xb8;
	[tilespmem:$0x1DA80] =	vst v63  }
0x59: {  	_ =	swait.ge [sflag:s18], $0x4000  }
0x5a: {  	[sflag:s18] =	ssyncset.done $0x0  }
0x5b: {  	[sflag:s18] =	ssyncadd.s32 $0xFFFFC000  }
0x5c: {  	[tilespmem:s17], [sflag:$0x1] =	stream.linear.gather [hbm4b:s29+s3], $0x4000, $0x38;
	[tilespmem:$0x1DA80] =	vst v63  }
0x5d: {  	_ =	swait.ge [sflag:s22], $0x4000  }
0x5e: {  	[sflag:s22] =	ssyncset.done $0x0  }
.Ltmp1:
0x5f: {  	s30 =	sadd.s32 $0x80, s30;
	[sflag:s22] =	ssyncadd.s32 $0xFFFFC000;
	(pc) =	sbr.rel @p1 .LBB2_4-.Ltmp1, $4  }
0x60: {  	[spmem:s2] =	stream.indirect.scatter.add.f32 [tilespmem:s16], [sflag:$0x4], $0x80, s30, s21, $0xb8;
	[tilespmem:$0x1DA80] =	vst v63  }
0x61: {  	_ =	swait.ge [sflag:s18], $0x4000  }
0x62: {  	[sflag:s18] =	ssyncset.done $0x0  }
0x63: {  	s30 =	sadd.s32 $0x800, s29;
	s29 =	sadd.s32 $0x1000, s29;
	[sflag:s18] =	ssyncadd.s32 $0xFFFFC000  }
0x64: {  	[tilespmem:s16], [sflag:$0x2] =	stream.linear.gather [hbm4b:s30+s3], $0x4000, $0x38;
	[tilespmem:$0x1DA80] =	vst v63  }
0x65: {  	_ =	swait.ge [sflag:s20], $0x4000  }
0x66: {  	[sflag:s20] =	ssyncset.done $0x0  }
0x67: {  	[sflag:s20] =	ssyncadd.s32 $0xFFFFC000  }
0x68: {  	[spmem:s2] =	stream.indirect.scatter.add.f32 [tilespmem:s17], [sflag:$0x4], $0x80, s23, s21, $0xb8;
	[tilespmem:$0x1DA80] =	vst v63  }
0x69: {  	_ =	swait.ge [sflag:s18], $0x4000  }
0x6a: {  	[sflag:s18] =	ssyncset.done $0x0  }
0x6b: {  	[sflag:s18] =	ssyncadd.s32 $0xFFFFC000  }
0x6c: {  	_ =	swait.ge [sflag:s22], $0x4000  }
0x6d: {  	[sflag:s22] =	ssyncset.done $0x0  }
0x6e: {  	[sflag:s22] =	ssyncadd.s32 $0xFFFFC000  }
0x6f: {  	[spmem:s2] =	stream.indirect.scatter.add.f32 [tilespmem:s16], [sflag:$0x4], $0x80, s25, s21, $0xb8;
	[tilespmem:$0x1DA80] =	vst v63  }
0x70: {  	_ =	swait.ge [sflag:s18], $0x4000  }
0x71: {  	s28 =	simm.s32 @!p0 $0x0;
	[sflag:s18] =	ssyncset.done $0x0  }
0x72: {  	s29 =	simm.s32 @!p0 $0x1A00;
	s30 =	simm.s32 @!p0 $0x4;
	[sflag:s18] =	ssyncadd.s32 $0xFFFFC000  }
0x73: {  	[tilespmem:s29], [sflag:$0x4] =	stream.linear.gather @!p0 [hbm4b:s8+s28], $0x80, $0x38;
	[tilespmem:$0x1DA80] =	vst v63  }
0x74: {  	_ =	swait.ge @!p0 [sflag:s30], $0x80  }
0x75: {  	[sflag:s30] =	ssyncset.done @!p0 $0x0  }
0x76: {  	s31 =	simm.s32 @!p0 $0x1A80;
	[sflag:s30] =	ssyncadd.s32 @!p0 $0xFFFFFF80  }
0x77: {  	[tilespmem:s31], [sflag:$0x4] =	stream.linear.gather @!p0 [hbm4b:s9+s28], $0x4000, $0x38;
	[tilespmem:$0x1DA80] =	vst v63  }
0x78: {  	_ =	swait.ge @!p0 [sflag:s30], $0x4000  }
0x79: {  	[sflag:s30] =	ssyncset.done @!p0 $0x0  }
0x7a: {  	s28 =	simm.s32 @!p0 $0x80;
	[sflag:s30] =	ssyncadd.s32 @!p0 $0xFFFFC000  }
0x7b: {  	[spmem:s2] =	stream.indirect.scatter.add.f32 @!p0 [tilespmem:s31], [sflag:$0x4], $0x80, s29, s28, $0xb8;
	[tilespmem:$0x1DA80] =	vst v63  }
0x7c: {  	s26 =	sadd.s32 $0x1, s26;
	_ =	swait.ge @!p0 [sflag:s30], $0x4000  }
0x7d: {  	p1 =	sne.s32 s26, s10;
	[sflag:s30] =	ssyncset.done @!p0 $0x0  }
0x7e: {  	s31 =	sshrl.u32 s7, $0x3;
	[sflag:s30] =	ssyncadd.s32 @!p0 $0xFFFFC000;
	s30 =	sshll.u32 s1, $0x6  }
.Ltmp2:
0x7f: {  	[bflag:$0x0] =	sbarrier.arrive $0xFFFF;
	s28 =	sor.u32 $0x1C04, s30;
	(pc) =	sbr.rel @p1 .LBB2_1-.Ltmp2, $4  }
0x80: {  	[hbm:s24], [sflag:s28] =	dma.local [spmem:s31], $0x2800  }
0x81: {  	_ =	swait.ge [sflag:s18], $0x2800  }
0x82: {  	[sflag:s18] =	ssyncset.done $0x0  }
0x83: {  	[sflag:s18] =	ssyncadd.s32 $0xFFFFD800  }
0x84: {  	_ =	sfence.sel $0x180000  }
0x85: {  	[bflag:$0x0] =	sbarrier.arrive $0xFFFF  }
0x86: {  	p0 =	sne.s32 s1, $0x0;
	_ =	strace $0x90000047  }
0x87: {  	s0 =	sadd.s32 @!p0 $0x100000, s0;
	[bflag:$0x2] =	sbarrier.arrive $0xFFFF  }
0x88: {  	[sflag:s0] =	ssyncadd.tile.s32 @!p0 $0x1;
	_ =	shalt  }
.Lfunc_end2:
_tile_overlayer_lowered:
.L_overlay_start_2:
0x89: {  	(tag) =	ssettag $0x2  }
0x8a: {  	s0 =	rddreg [dreg:$0x0];
	s2 =	stileid.u32  }
0x8b: {  	s1 =	rddreg [dreg:$0x1];
	p0 =	sne.s32 s2, $0x0  }
0x8c: {  	s3 =	rddreg [dreg:$0x2];
	[bflag:$0x3] =	sbarrier.arrive $0xFFFF;
	s2 =	simm.s32 @!p0 $0x1C04  }
0x8d: {  	[timem:s3], [sflag:s2] =	dma.local @!p0 [hbm:s0], s1  }
0x8e: {  	s0 =	simm.s32 @!p0 $0x4  }
0x8f: {  	_ =	swait.ge @!p0 [sflag:s0], s1  }
0x90: {  	s1 =	ssub.s32 @!p0 $0x0, s1;
	[sflag:s0] =	ssyncset.done @!p0 $0x0  }
0x91: {  	[sflag:s0] =	ssyncadd.s32 @!p0 s1  }
0x92: {  	[bflag:$0x3] =	sbarrier.arrive $0xFFFF  }
0x93: {  	_ =	shalt  }

</sc_bundles>
